<compile_context>
chip_gen: v7x
topology: tpu7x:2x2x1
jax: 0.10.2.dev20260603
libtpu: 0.0.44.dev20260713+nightly
codegen_flags: <defaults>
</compile_context>

<pallas_src>
import jax
import jax.numpy as jnp
from jax import lax
from jax.experimental import pallas as pl
from jax.experimental.pallas import tpu as pltpu
from jax.experimental.pallas import tpu_sc as plsc

B = 4096
NA = 10
NE = 20
NC = 2
NS = 16
NW = NC * NS
NT = B // 128
KS = 128 // 16


def _vsqrt(x):
    i = plsc.bitcast(x, jnp.int32)
    i = jnp.int32(0x5F3759DF) - (i >> 1)
    y = plsc.bitcast(i, jnp.float32)
    for _ in range(2):
        y = y * (1.5 - 0.5 * x * y * y)
    return x * y


def _sc_body(
    mov_hbm, loc_hbm, goal_hbm, out_hbm, mov_v, loc_v, goal_v, res_v, sem_m, sem_lg
):
    wid = lax.axis_index("s") * NC + lax.axis_index("c")
    cps = [
        pltpu.async_copy(mov_hbm.at[:, wid, c], mov_v.at[pl.ds(c * NE, NE)], sem_m)
        for c in range(2)
    ]
    cps_lg = [
        pltpu.async_copy(loc_hbm.at[:, wid, c], loc_v.at[pl.ds(c * NE, NE)], sem_lg)
        for c in range(2)
    ] + [
        pltpu.async_copy(goal_hbm.at[c, :, wid], goal_v.at[pl.ds(c * NA, NA)], sem_lg)
        for c in range(3)
    ]

    lane = lax.broadcasted_iota(jnp.int32, (16,), 0)

    for c in cps:
        c.wait()

    def move_step(t, acc):
        e = t // KS
        col = (t % KS) * 16 + lane
        mx = plsc.load_gather(mov_v, [e + lane * 0, col])
        my = plsc.load_gather(mov_v, [e + NE + lane * 0, col])
        return acc + _vsqrt(mx * mx + my * my)

    acc = lax.fori_loop(0, KS * NE, move_step, jnp.zeros((16,), jnp.float32))

    for c in cps_lg:
        c.wait()

    def phys_step(t, acc):
        j = t // KS
        col = (t % KS) * 16 + lane
        gx = plsc.load_gather(goal_v, [j + lane * 0, col])
        gy = plsc.load_gather(goal_v, [j + NA + lane * 0, col])
        g = plsc.load_gather(goal_v, [j + 2 * NA + lane * 0, col]).astype(jnp.int32)
        lx = plsc.load_gather(loc_v, [g, col]) + plsc.load_gather(mov_v, [g, col])
        ly = plsc.load_gather(loc_v, [g + NE, col]) + plsc.load_gather(
            mov_v, [g + NE, col]
        )
        dx = lx - gx
        dy = ly - gy
        return acc + 2.0 * _vsqrt(dx * dx + dy * dy)

    res_v[...] = lax.fori_loop(0, KS * NA, phys_step, acc)
    pltpu.sync_copy(res_v, out_hbm.at[wid])


@jax.jit
def _sc_cost(mov4, loc4, goal4):
    mesh = plsc.VectorSubcoreMesh(core_axis_name="c", subcore_axis_name="s")
    f = pl.kernel(
        _sc_body,
        out_type=jax.ShapeDtypeStruct((NW, 16), jnp.float32),
        mesh=mesh,
        scratch_types=[
            pltpu.VMEM((2 * NE, 128), jnp.float32),
            pltpu.VMEM((2 * NE, 128), jnp.float32),
            pltpu.VMEM((3 * NA, 128), jnp.float32),
            pltpu.VMEM((16,), jnp.float32),
            pltpu.SemaphoreType.DMA,
            pltpu.SemaphoreType.DMA,
        ],
        compiler_params=pltpu.CompilerParams(needs_layout_passes=False),
    )
    return jnp.sum(f(mov4, loc4, goal4))


def kernel(movements, goal_predictions, utterances, locations, goals):
    mov4 = movements.transpose(1, 2, 0).reshape(NE, 2, NT, 128).transpose(0, 2, 1, 3)
    loc4 = locations.transpose(1, 2, 0).reshape(NE, 2, NT, 128).transpose(0, 2, 1, 3)
    goal4 = goals.transpose(2, 1, 0).reshape(3, NA, NT, 128)
    return _sc_cost(mov4, loc4, goal4)

# --- scband reference (transcript-rebuilt; emitter-appended) ---
"""Pipeline reference for scband-game-module-6786048327929 (READ-ONLY COPY).

The authoritative reference and input builder live on the scoring server;
editing this copy changes nothing except your own understanding.
"""

import jax, jax.numpy as jnp
import numpy as np

B = 4096
NA = 10
NL = 10
NE = NA + NL
WORLD = 16.0
VOCAB = 20
GOAL = 3


def setup_inputs(seed: int = 0) -> dict:
    key = jax.random.key(seed)
    k1, k2, k3, k4, k5, k6 = jax.random.split(key, 6)
    movements = jax.random.normal(k1, (B, NE, 2), dtype=jnp.float32) * 0.1
    goal_predictions = jax.random.normal(k2, (B, NA, NA, GOAL), dtype=jnp.float32)
    utterances = jax.random.normal(k3, (B, NA, VOCAB), dtype=jnp.float32)
    # game state created in __init__ of the torch module, materialized here as inputs
    locations = jax.random.uniform(k4, (B, NE, 2), dtype=jnp.float32) * WORLD
    goal_entities = jax.random.randint(k5, (B, NA), NA, NE)
    idx = jnp.broadcast_to(goal_entities[:, :, None], (B, NA, 2))
    goal_locations = jnp.take_along_axis(locations, idx, axis=1)
    base = jnp.broadcast_to(jnp.arange(NA, dtype=jnp.float32), (B, NA))
    goal_agents = jax.random.permutation(k6, base, axis=1, independent=True)
    goals = jnp.concatenate([goal_locations, goal_agents[:, :, None]], axis=2)
    return {
        "movements": movements,
        "goal_predictions": goal_predictions,
        "utterances": utterances,
        "locations": locations,
        "goals": goals,
    }


def reference(movements, goal_predictions, utterances, locations, goals):
    # forward: locations update
    loc = locations + movements
    agent_baselines = loc[:, :NA, :]
    # observations / observed_goals are internal state updates (no effect on returned cost)
    observations = loc[:, None, :, :] - agent_baselines[:, :, None, :]
    new_obs = goals[:, :, :2] - agent_baselines
    observed_goals = jnp.concatenate([new_obs, goals[:, :, 2:3]], axis=2)
    # physical cost: sort goals per batch by assigned agent id, gather, L2 distance
    sort_idxs = jnp.argsort(goals[:, :, 2], axis=1)
    gidx = jnp.broadcast_to(sort_idxs[:, :, None], goals.shape)
    sorted_goals = jnp.take_along_axis(goals, gidx, axis=1)[:, :, :2]
    physical_cost = 2.0 * jnp.sum(
        jnp.sqrt(jnp.sum((loc[:, :NA, :] - sorted_goals) ** 2, axis=-1))
    )
    # movement cost
    movement_cost = jnp.sum(jnp.sqrt(jnp.sum(movements ** 2, axis=-1)))
    # goal prediction cost is 0 in the reference module
    goal_pred_cost = 0.0
    return physical_cost + goal_pred_cost + movement_cost

if __name__ == "__main__":
    import jax
    _d = setup_inputs()
    print(jax.jit(kernel)(*tuple(_d.values())))

</pallas_src>

<mosaic_0001>
#map = affine_map<(d0, d1) -> (0, 0, 0, 0)>
#map1 = affine_map<(d0, d1) -> (0, 0)>
module attributes {stable_mosaic.version = 14 : i64} {
  func.func @_sc_body(%arg0: i32, %arg1: i32, %arg2: memref<20x32x2x128xf32, #tpu.memory_space<hbm>>, %arg3: memref<20x32x2x128xf32, #tpu.memory_space<hbm>>, %arg4: memref<3x10x32x128xf32, #tpu.memory_space<hbm>>, %arg5: memref<32x16xf32, #tpu.memory_space<hbm>>, %arg6: memref<40x128xf32, #tpu.memory_space<vmem>>, %arg7: memref<40x128xf32, #tpu.memory_space<vmem>>, %arg8: memref<30x128xf32, #tpu.memory_space<vmem>>, %arg9: memref<16xf32, #tpu.memory_space<vmem>>, %arg10: memref<!tpu.dma_semaphore, #tpu.memory_space<semaphore_mem>>, %arg11: memref<!tpu.dma_semaphore, #tpu.memory_space<semaphore_mem>>) attributes {dimension_semantics = [#tpu.dimension_semantics<core_parallel>, #tpu.dimension_semantics<subcore_parallel>], iteration_bounds = array<i64: 2, 16>, scalar_prefetch = 0 : i64, scratch_operands = 6 : i64, tpu.core_type = #tpu.core_type<sc_vector_subcore>, window_params = [{transform_indices = #map}, {transform_indices = #map}, {transform_indices = #map}, {transform_indices = #map1}]} {
    %mul3A = arith.constant 2 : i32
    %mul3A_0 = arith.muli %arg1, %mul3A : i32
    %add3A = arith.addi %mul3A_0, %arg0 : i32
    %dma_start3A = arith.constant 0 : i32
    %dma_start3A_1 = arith.constant 0 : i32
    %dma_start3A_2 = arith.constant 0 : i32
    %dma_start3A_3 = tpu.memref_slice %arg6[%dma_start3A_1, %dma_start3A_2] : memref<40x128xf32, #tpu.memory_space<vmem>> -> memref<20x128xf32, #tpu.memory_space<vmem>>
    %dma_start3A_4 = arith.constant 0 : i32
    %dma_start3A_5 = arith.constant 0 : i32
    %dma_start3A_6 = tpu.memref_slice %arg2[%dma_start3A_4, %add3A, %dma_start3A, %dma_start3A_5] : memref<20x32x2x128xf32, #tpu.memory_space<hbm>> -> memref<20x1x1x128xf32, #tpu.memory_space<hbm>>
    %dma_start3A_7 = tpu.memref_squeeze %dma_start3A_6 : memref<20x1x1x128xf32, #tpu.memory_space<hbm>> -> memref<20x128xf32, #tpu.memory_space<hbm>>
    %dma_start3A_8 = arith.constant 0 : i32
    %dma_start3A_9 = arith.constant 0 : i32
    %dma_start3A_10 = tpu.memref_slice %arg6[%dma_start3A_8, %dma_start3A_9] : memref<40x128xf32, #tpu.memory_space<vmem>> -> memref<20x128xf32, #tpu.memory_space<vmem>>
    %dma_start3A_11 = arith.constant 0 : i32
    %dma_start3A_12 = arith.constant 0 : i32
    %dma_start3A_13 = tpu.memref_slice %arg2[%dma_start3A_11, %add3A, %dma_start3A, %dma_start3A_12] : memref<20x32x2x128xf32, #tpu.memory_space<hbm>> -> memref<20x1x1x128xf32, #tpu.memory_space<hbm>>
    %dma_start3A_14 = tpu.memref_squeeze %dma_start3A_13 : memref<20x1x1x128xf32, #tpu.memory_space<hbm>> -> memref<20x128xf32, #tpu.memory_space<hbm>>
    tpu.enqueue_dma source(%dma_start3A_14 : memref<20x128xf32, #tpu.memory_space<hbm>>) target(%dma_start3A_10 : memref<20x128xf32, #tpu.memory_space<vmem>>) target_semaphore(%arg10 : memref<!tpu.dma_semaphore, #tpu.memory_space<semaphore_mem>>)
    %dma_start3A_15 = arith.constant 1 : i32
    %dma_start3A_16 = arith.constant 20 : i32
    %dma_start3A_17 = arith.constant 0 : i32
    %dma_start3A_18 = tpu.memref_slice %arg6[%dma_start3A_16, %dma_start3A_17] : memref<40x128xf32, #tpu.memory_space<vmem>> -> memref<20x128xf32, #tpu.memory_space<vmem>>
    %dma_start3A_19 = arith.constant 0 : i32
    %dma_start3A_20 = arith.constant 0 : i32
    %dma_start3A_21 = tpu.memref_slice %arg2[%dma_start3A_19, %add3A, %dma_start3A_15, %dma_start3A_20] : memref<20x32x2x128xf32, #tpu.memory_space<hbm>> -> memref<20x1x1x128xf32, #tpu.memory_space<hbm>>
    %dma_start3A_22 = tpu.memref_squeeze %dma_start3A_21 : memref<20x1x1x128xf32, #tpu.memory_space<hbm>> -> memref<20x128xf32, #tpu.memory_space<hbm>>
    %dma_start3A_23 = arith.constant 20 : i32
    %dma_start3A_24 = arith.constant 0 : i32
    %dma_start3A_25 = tpu.memref_slice %arg6[%dma_start3A_23, %dma_start3A_24] : memref<40x128xf32, #tpu.memory_space<vmem>> -> memref<20x128xf32, #tpu.memory_space<vmem>>
    %dma_start3A_26 = arith.constant 0 : i32
    %dma_start3A_27 = arith.constant 0 : i32
    %dma_start3A_28 = tpu.memref_slice %arg2[%dma_start3A_26, %add3A, %dma_start3A_15, %dma_start3A_27] : memref<20x32x2x128xf32, #tpu.memory_space<hbm>> -> memref<20x1x1x128xf32, #tpu.memory_space<hbm>>
    %dma_start3A_29 = tpu.memref_squeeze %dma_start3A_28 : memref<20x1x1x128xf32, #tpu.memory_space<hbm>> -> memref<20x128xf32, #tpu.memory_space<hbm>>
    tpu.enqueue_dma source(%dma_start3A_29 : memref<20x128xf32, #tpu.memory_space<hbm>>) target(%dma_start3A_25 : memref<20x128xf32, #tpu.memory_space<vmem>>) target_semaphore(%arg10 : memref<!tpu.dma_semaphore, #tpu.memory_space<semaphore_mem>>)
    %dma_start3A_30 = arith.constant 0 : i32
    %dma_start3A_31 = arith.constant 0 : i32
    %dma_start3A_32 = arith.constant 0 : i32
    %dma_start3A_33 = tpu.memref_slice %arg7[%dma_start3A_31, %dma_start3A_32] : memref<40x128xf32, #tpu.memory_space<vmem>> -> memref<20x128xf32, #tpu.memory_space<vmem>>
    %dma_start3A_34 = arith.constant 0 : i32
    %dma_start3A_35 = arith.constant 0 : i32
    %dma_start3A_36 = tpu.memref_slice %arg3[%dma_start3A_34, %add3A, %dma_start3A_30, %dma_start3A_35] : memref<20x32x2x128xf32, #tpu.memory_space<hbm>> -> memref<20x1x1x128xf32, #tpu.memory_space<hbm>>
    %dma_start3A_37 = tpu.memref_squeeze %dma_start3A_36 : memref<20x1x1x128xf32, #tpu.memory_space<hbm>> -> memref<20x128xf32, #tpu.memory_space<hbm>>
    %dma_start3A_38 = arith.constant 0 : i32
    %dma_start3A_39 = arith.constant 0 : i32
    %dma_start3A_40 = tpu.memref_slice %arg7[%dma_start3A_38, %dma_start3A_39] : memref<40x128xf32, #tpu.memory_space<vmem>> -> memref<20x128xf32, #tpu.memory_space<vmem>>
    %dma_start3A_41 = arith.constant 0 : i32
    %dma_start3A_42 = arith.constant 0 : i32
    %dma_start3A_43 = tpu.memref_slice %arg3[%dma_start3A_41, %add3A, %dma_start3A_30, %dma_start3A_42] : memref<20x32x2x128xf32, #tpu.memory_space<hbm>> -> memref<20x1x1x128xf32, #tpu.memory_space<hbm>>
    %dma_start3A_44 = tpu.memref_squeeze %dma_start3A_43 : memref<20x1x1x128xf32, #tpu.memory_space<hbm>> -> memref<20x128xf32, #tpu.memory_space<hbm>>
    tpu.enqueue_dma source(%dma_start3A_44 : memref<20x128xf32, #tpu.memory_space<hbm>>) target(%dma_start3A_40 : memref<20x128xf32, #tpu.memory_space<vmem>>) target_semaphore(%arg11 : memref<!tpu.dma_semaphore, #tpu.memory_space<semaphore_mem>>)
    %dma_start3A_45 = arith.constant 1 : i32
    %dma_start3A_46 = arith.constant 20 : i32
    %dma_start3A_47 = arith.constant 0 : i32
    %dma_start3A_48 = tpu.memref_slice %arg7[%dma_start3A_46, %dma_start3A_47] : memref<40x128xf32, #tpu.memory_space<vmem>> -> memref<20x128xf32, #tpu.memory_space<vmem>>
    %dma_start3A_49 = arith.constant 0 : i32
    %dma_start3A_50 = arith.constant 0 : i32
    %dma_start3A_51 = tpu.memref_slice %arg3[%dma_start3A_49, %add3A, %dma_start3A_45, %dma_start3A_50] : memref<20x32x2x128xf32, #tpu.memory_space<hbm>> -> memref<20x1x1x128xf32, #tpu.memory_space<hbm>>
    %dma_start3A_52 = tpu.memref_squeeze %dma_start3A_51 : memref<20x1x1x128xf32, #tpu.memory_space<hbm>> -> memref<20x128xf32, #tpu.memory_space<hbm>>
    %dma_start3A_53 = arith.constant 20 : i32
    %dma_start3A_54 = arith.constant 0 : i32
    %dma_start3A_55 = tpu.memref_slice %arg7[%dma_start3A_53, %dma_start3A_54] : memref<40x128xf32, #tpu.memory_space<vmem>> -> memref<20x128xf32, #tpu.memory_space<vmem>>
    %dma_start3A_56 = arith.constant 0 : i32
    %dma_start3A_57 = arith.constant 0 : i32
    %dma_start3A_58 = tpu.memref_slice %arg3[%dma_start3A_56, %add3A, %dma_start3A_45, %dma_start3A_57] : memref<20x32x2x128xf32, #tpu.memory_space<hbm>> -> memref<20x1x1x128xf32, #tpu.memory_space<hbm>>
    %dma_start3A_59 = tpu.memref_squeeze %dma_start3A_58 : memref<20x1x1x128xf32, #tpu.memory_space<hbm>> -> memref<20x128xf32, #tpu.memory_space<hbm>>
    tpu.enqueue_dma source(%dma_start3A_59 : memref<20x128xf32, #tpu.memory_space<hbm>>) target(%dma_start3A_55 : memref<20x128xf32, #tpu.memory_space<vmem>>) target_semaphore(%arg11 : memref<!tpu.dma_semaphore, #tpu.memory_space<semaphore_mem>>)
    %dma_start3A_60 = arith.constant 0 : i32
    %dma_start3A_61 = arith.constant 0 : i32
    %dma_start3A_62 = arith.constant 0 : i32
    %dma_start3A_63 = tpu.memref_slice %arg8[%dma_start3A_61, %dma_start3A_62] : memref<30x128xf32, #tpu.memory_space<vmem>> -> memref<10x128xf32, #tpu.memory_space<vmem>>
    %dma_start3A_64 = arith.constant 0 : i32
    %dma_start3A_65 = arith.constant 0 : i32
    %dma_start3A_66 = tpu.memref_slice %arg4[%dma_start3A_60, %dma_start3A_64, %add3A, %dma_start3A_65] : memref<3x10x32x128xf32, #tpu.memory_space<hbm>> -> memref<1x10x1x128xf32, #tpu.memory_space<hbm>>
    %dma_start3A_67 = tpu.memref_squeeze %dma_start3A_66 : memref<1x10x1x128xf32, #tpu.memory_space<hbm>> -> memref<10x128xf32, #tpu.memory_space<hbm>>
    %dma_start3A_68 = arith.constant 0 : i32
    %dma_start3A_69 = arith.constant 0 : i32
    %dma_start3A_70 = tpu.memref_slice %arg8[%dma_start3A_68, %dma_start3A_69] : memref<30x128xf32, #tpu.memory_space<vmem>> -> memref<10x128xf32, #tpu.memory_space<vmem>>
    %dma_start3A_71 = arith.constant 0 : i32
    %dma_start3A_72 = arith.constant 0 : i32
    %dma_start3A_73 = tpu.memref_slice %arg4[%dma_start3A_60, %dma_start3A_71, %add3A, %dma_start3A_72] : memref<3x10x32x128xf32, #tpu.memory_space<hbm>> -> memref<1x10x1x128xf32, #tpu.memory_space<hbm>>
    %dma_start3A_74 = tpu.memref_squeeze %dma_start3A_73 : memref<1x10x1x128xf32, #tpu.memory_space<hbm>> -> memref<10x128xf32, #tpu.memory_space<hbm>>
    tpu.enqueue_dma source(%dma_start3A_74 : memref<10x128xf32, #tpu.memory_space<hbm>>) target(%dma_start3A_70 : memref<10x128xf32, #tpu.memory_space<vmem>>) target_semaphore(%arg11 : memref<!tpu.dma_semaphore, #tpu.memory_space<semaphore_mem>>)
    %dma_start3A_75 = arith.constant 1 : i32
    %dma_start3A_76 = arith.constant 10 : i32
    %dma_start3A_77 = arith.constant 0 : i32
    %dma_start3A_78 = tpu.memref_slice %arg8[%dma_start3A_76, %dma_start3A_77] : memref<30x128xf32, #tpu.memory_space<vmem>> -> memref<10x128xf32, #tpu.memory_space<vmem>>
    %dma_start3A_79 = arith.constant 0 : i32
    %dma_start3A_80 = arith.constant 0 : i32
    %dma_start3A_81 = tpu.memref_slice %arg4[%dma_start3A_75, %dma_start3A_79, %add3A, %dma_start3A_80] : memref<3x10x32x128xf32, #tpu.memory_space<hbm>> -> memref<1x10x1x128xf32, #tpu.memory_space<hbm>>
    %dma_start3A_82 = tpu.memref_squeeze %dma_start3A_81 : memref<1x10x1x128xf32, #tpu.memory_space<hbm>> -> memref<10x128xf32, #tpu.memory_space<hbm>>
    %dma_start3A_83 = arith.constant 10 : i32
    %dma_start3A_84 = arith.constant 0 : i32
    %dma_start3A_85 = tpu.memref_slice %arg8[%dma_start3A_83, %dma_start3A_84] : memref<30x128xf32, #tpu.memory_space<vmem>> -> memref<10x128xf32, #tpu.memory_space<vmem>>
    %dma_start3A_86 = arith.constant 0 : i32
    %dma_start3A_87 = arith.constant 0 : i32
    %dma_start3A_88 = tpu.memref_slice %arg4[%dma_start3A_75, %dma_start3A_86, %add3A, %dma_start3A_87] : memref<3x10x32x128xf32, #tpu.memory_space<hbm>> -> memref<1x10x1x128xf32, #tpu.memory_space<hbm>>
    %dma_start3A_89 = tpu.memref_squeeze %dma_start3A_88 : memref<1x10x1x128xf32, #tpu.memory_space<hbm>> -> memref<10x128xf32, #tpu.memory_space<hbm>>
    tpu.enqueue_dma source(%dma_start3A_89 : memref<10x128xf32, #tpu.memory_space<hbm>>) target(%dma_start3A_85 : memref<10x128xf32, #tpu.memory_space<vmem>>) target_semaphore(%arg11 : memref<!tpu.dma_semaphore, #tpu.memory_space<semaphore_mem>>)
    %dma_start3A_90 = arith.constant 2 : i32
    %dma_start3A_91 = arith.constant 20 : i32
    %dma_start3A_92 = arith.constant 0 : i32
    %dma_start3A_93 = tpu.memref_slice %arg8[%dma_start3A_91, %dma_start3A_92] : memref<30x128xf32, #tpu.memory_space<vmem>> -> memref<10x128xf32, #tpu.memory_space<vmem>>
    %dma_start3A_94 = arith.constant 0 : i32
    %dma_start3A_95 = arith.constant 0 : i32
    %dma_start3A_96 = tpu.memref_slice %arg4[%dma_start3A_90, %dma_start3A_94, %add3A, %dma_start3A_95] : memref<3x10x32x128xf32, #tpu.memory_space<hbm>> -> memref<1x10x1x128xf32, #tpu.memory_space<hbm>>
    %dma_start3A_97 = tpu.memref_squeeze %dma_start3A_96 : memref<1x10x1x128xf32, #tpu.memory_space<hbm>> -> memref<10x128xf32, #tpu.memory_space<hbm>>
    %dma_start3A_98 = arith.constant 20 : i32
    %dma_start3A_99 = arith.constant 0 : i32
    %dma_start3A_100 = tpu.memref_slice %arg8[%dma_start3A_98, %dma_start3A_99] : memref<30x128xf32, #tpu.memory_space<vmem>> -> memref<10x128xf32, #tpu.memory_space<vmem>>
    %dma_start3A_101 = arith.constant 0 : i32
    %dma_start3A_102 = arith.constant 0 : i32
    %dma_start3A_103 = tpu.memref_slice %arg4[%dma_start3A_90, %dma_start3A_101, %add3A, %dma_start3A_102] : memref<3x10x32x128xf32, #tpu.memory_space<hbm>> -> memref<1x10x1x128xf32, #tpu.memory_space<hbm>>
    %dma_start3A_104 = tpu.memref_squeeze %dma_start3A_103 : memref<1x10x1x128xf32, #tpu.memory_space<hbm>> -> memref<10x128xf32, #tpu.memory_space<hbm>>
    tpu.enqueue_dma source(%dma_start3A_104 : memref<10x128xf32, #tpu.memory_space<hbm>>) target(%dma_start3A_100 : memref<10x128xf32, #tpu.memory_space<vmem>>) target_semaphore(%arg11 : memref<!tpu.dma_semaphore, #tpu.memory_space<semaphore_mem>>)
    %iota3A = tpu.iota {dimensions = array<i32: 0>} : vector<16xi32>
    %dma_wait3A = arith.constant 0 : i32
    %dma_wait3A_105 = arith.constant 0 : i32
    %dma_wait3A_106 = arith.constant 0 : i32
    %dma_wait3A_107 = tpu.memref_slice %arg6[%dma_wait3A_105, %dma_wait3A_106] : memref<40x128xf32, #tpu.memory_space<vmem>> -> memref<20x128xf32, #tpu.memory_space<vmem>>
    %dma_wait3A_108 = arith.constant 0 : i32
    %dma_wait3A_109 = arith.constant 0 : i32
    %dma_wait3A_110 = tpu.memref_slice %arg2[%dma_wait3A_108, %add3A, %dma_wait3A, %dma_wait3A_109] : memref<20x32x2x128xf32, #tpu.memory_space<hbm>> -> memref<20x1x1x128xf32, #tpu.memory_space<hbm>>
    %dma_wait3A_111 = tpu.memref_squeeze %dma_wait3A_110 : memref<20x1x1x128xf32, #tpu.memory_space<hbm>> -> memref<20x128xf32, #tpu.memory_space<hbm>>
    %dma_wait3A_112 = arith.constant 0 : i32
    %dma_wait3A_113 = arith.constant 0 : i32
    %dma_wait3A_114 = tpu.memref_slice %arg6[%dma_wait3A_112, %dma_wait3A_113] : memref<40x128xf32, #tpu.memory_space<vmem>> -> memref<20x128xf32, #tpu.memory_space<vmem>>
    %dma_wait3A_115 = arith.constant 0 : i32
    %dma_wait3A_116 = arith.constant 0 : i32
    %dma_wait3A_117 = tpu.memref_slice %arg2[%dma_wait3A_115, %add3A, %dma_wait3A, %dma_wait3A_116] : memref<20x32x2x128xf32, #tpu.memory_space<hbm>> -> memref<20x1x1x128xf32, #tpu.memory_space<hbm>>
    %dma_wait3A_118 = tpu.memref_squeeze %dma_wait3A_117 : memref<20x1x1x128xf32, #tpu.memory_space<hbm>> -> memref<20x128xf32, #tpu.memory_space<hbm>>
    tpu.wait_dma2 semaphore(%arg10 : memref<!tpu.dma_semaphore, #tpu.memory_space<semaphore_mem>>) src(%dma_wait3A_118 : memref<20x128xf32, #tpu.memory_space<hbm>>) dst(%dma_wait3A_114 : memref<20x128xf32, #tpu.memory_space<vmem>>)
    %dma_wait3A_119 = arith.constant 1 : i32
    %dma_wait3A_120 = arith.constant 20 : i32
    %dma_wait3A_121 = arith.constant 0 : i32
    %dma_wait3A_122 = tpu.memref_slice %arg6[%dma_wait3A_120, %dma_wait3A_121] : memref<40x128xf32, #tpu.memory_space<vmem>> -> memref<20x128xf32, #tpu.memory_space<vmem>>
    %dma_wait3A_123 = arith.constant 0 : i32
    %dma_wait3A_124 = arith.constant 0 : i32
    %dma_wait3A_125 = tpu.memref_slice %arg2[%dma_wait3A_123, %add3A, %dma_wait3A_119, %dma_wait3A_124] : memref<20x32x2x128xf32, #tpu.memory_space<hbm>> -> memref<20x1x1x128xf32, #tpu.memory_space<hbm>>
    %dma_wait3A_126 = tpu.memref_squeeze %dma_wait3A_125 : memref<20x1x1x128xf32, #tpu.memory_space<hbm>> -> memref<20x128xf32, #tpu.memory_space<hbm>>
    %dma_wait3A_127 = arith.constant 20 : i32
    %dma_wait3A_128 = arith.constant 0 : i32
    %dma_wait3A_129 = tpu.memref_slice %arg6[%dma_wait3A_127, %dma_wait3A_128] : memref<40x128xf32, #tpu.memory_space<vmem>> -> memref<20x128xf32, #tpu.memory_space<vmem>>
    %dma_wait3A_130 = arith.constant 0 : i32
    %dma_wait3A_131 = arith.constant 0 : i32
    %dma_wait3A_132 = tpu.memref_slice %arg2[%dma_wait3A_130, %add3A, %dma_wait3A_119, %dma_wait3A_131] : memref<20x32x2x128xf32, #tpu.memory_space<hbm>> -> memref<20x1x1x128xf32, #tpu.memory_space<hbm>>
    %dma_wait3A_133 = tpu.memref_squeeze %dma_wait3A_132 : memref<20x1x1x128xf32, #tpu.memory_space<hbm>> -> memref<20x128xf32, #tpu.memory_space<hbm>>
    tpu.wait_dma2 semaphore(%arg10 : memref<!tpu.dma_semaphore, #tpu.memory_space<semaphore_mem>>) src(%dma_wait3A_133 : memref<20x128xf32, #tpu.memory_space<hbm>>) dst(%dma_wait3A_129 : memref<20x128xf32, #tpu.memory_space<vmem>>)
    %broadcast_in_dim3A = arith.constant 0.000000e+00 : f32
    %broadcast_in_dim3A_134 = vector.broadcast %broadcast_in_dim3A : f32 to vector<16xf32>
    %scan3A = arith.constant 0 : i32
    %scan3A_135 = arith.constant 160 : i32
    %scan3A_136 = arith.addi %scan3A, %scan3A_135 : i32
    %scan3A_137 = arith.constant 1 : i32
    %scan3A_138 = scf.for %scan3A_222 = %scan3A to %scan3A_136 step %scan3A_137 iter_args(%scan3A_223 = %broadcast_in_dim3A_134) -> (vector<16xf32>)  : i32 {
      %jit3A = arith.constant 8 : i32
      %div3A = arith.divsi %scan3A_222, %jit3A : i32
      %sign3A = arith.constant 0 : i32
      %sign3A_224 = arith.cmpi sgt, %scan3A_222, %sign3A : i32
      %sign3A_225 = arith.extui %sign3A_224 : i1 to i32
      %sign3A_226 = arith.constant 0 : i32
      %sign3A_227 = arith.cmpi slt, %scan3A_222, %sign3A_226 : i32
      %sign3A_228 = arith.extui %sign3A_227 : i1 to i32
      %sign3A_229 = arith.subi %sign3A_225, %sign3A_228 : i32
      %sign3A_230 = arith.constant 0 : i32
      %sign3A_231 = arith.cmpi sgt, %jit3A, %sign3A_230 : i32
      %sign3A_232 = arith.extui %sign3A_231 : i1 to i32
      %sign3A_233 = arith.constant 0 : i32
      %sign3A_234 = arith.cmpi slt, %jit3A, %sign3A_233 : i32
      %sign3A_235 = arith.extui %sign3A_234 : i1 to i32
      %sign3A_236 = arith.subi %sign3A_232, %sign3A_235 : i32
      %ne3A = arith.cmpi ne, %sign3A_229, %sign3A_236 : i32
      %rem3A = arith.remsi %scan3A_222, %jit3A : i32
      %ne3A_237 = arith.constant 0 : i32
      %ne3A_238 = arith.cmpi ne, %rem3A, %ne3A_237 : i32
      %and3A = arith.andi %ne3A, %ne3A_238 : i1
      %sub3A = arith.constant 1 : i32
      %sub3A_239 = arith.subi %div3A, %sub3A : i32
      %select_n3A = arith.select %and3A, %sub3A_239, %div3A : i32
      %jit3A_240 = arith.constant 8 : i32
      %eq3A = arith.constant 0 : i32
      %eq3A_241 = arith.cmpi eq, %jit3A_240, %eq3A : i32
      %jit3A_242 = arith.constant 1 : i32
      %select_n3A_243 = arith.select %eq3A_241, %jit3A_242, %jit3A_240 : i32
      %rem3A_244 = arith.remsi %scan3A_222, %select_n3A_243 : i32
      %ne3A_245 = arith.constant 0 : i32
      %ne3A_246 = arith.cmpi ne, %rem3A_244, %ne3A_245 : i32
      %lt3A = arith.constant 0 : i32
      %lt3A_247 = arith.cmpi slt, %rem3A_244, %lt3A : i32
      %lt3A_248 = arith.constant 0 : i32
      %lt3A_249 = arith.cmpi slt, %select_n3A_243, %lt3A_248 : i32
      %ne3A_250 = arith.xori %lt3A_247, %lt3A_249 : i1
      %and3A_251 = arith.andi %ne3A_250, %ne3A_246 : i1
      %add3A_252 = arith.addi %rem3A_244, %select_n3A_243 : i32
      %select_n3A_253 = arith.select %and3A_251, %add3A_252, %rem3A_244 : i32
      %mul3A_254 = arith.constant 16 : i32
      %mul3A_255 = arith.muli %select_n3A_253, %mul3A_254 : i32
      %add3A_256 = vector.broadcast %mul3A_255 : i32 to vector<16xi32>
      %add3A_257 = arith.addi %add3A_256, %iota3A : vector<16xi32>
      %mul3A_258 = arith.constant 0 : i32
      %mul3A_259 = vector.broadcast %mul3A_258 : i32 to vector<16xi32>
      %mul3A_260 = arith.muli %iota3A, %mul3A_259 : vector<16xi32>
      %add3A_261 = vector.broadcast %select_n3A : i32 to vector<16xi32>
      %add3A_262 = arith.addi %add3A_261, %mul3A_260 : vector<16xi32>
      %gather3A = tpu.vector_load_idx %arg6[%add3A_262, %add3A_257] : memref<40x128xf32, #tpu.memory_space<vmem>>[vector<16xi32>, vector<16xi32>], vector<16xf32>,
      %add3A_263 = arith.constant 20 : i32
      %add3A_264 = arith.addi %select_n3A, %add3A_263 : i32
      %mul3A_265 = arith.constant 0 : i32
      %mul3A_266 = vector.broadcast %mul3A_265 : i32 to vector<16xi32>
      %mul3A_267 = arith.muli %iota3A, %mul3A_266 : vector<16xi32>
      %add3A_268 = vector.broadcast %add3A_264 : i32 to vector<16xi32>
      %add3A_269 = arith.addi %add3A_268, %mul3A_267 : vector<16xi32>
      %gather3A_270 = tpu.vector_load_idx %arg6[%add3A_269, %add3A_257] : memref<40x128xf32, #tpu.memory_space<vmem>>[vector<16xi32>, vector<16xi32>], vector<16xf32>,
      %mul3A_271 = arith.mulf %gather3A, %gather3A : vector<16xf32>
      %mul3A_272 = arith.mulf %gather3A_270, %gather3A_270 : vector<16xf32>
      %add3A_273 = arith.addf %mul3A_271, %mul3A_272 : vector<16xf32>
      %bitcast3A = vector.bitcast %add3A_273 : vector<16xf32> to vector<16xi32>
      %shift_right_arithmetic3A = arith.constant 1 : i32
      %shift_right_arithmetic3A_274 = vector.broadcast %shift_right_arithmetic3A : i32 to vector<16xi32>
      %shift_right_arithmetic3A_275 = arith.shrsi %bitcast3A, %shift_right_arithmetic3A_274 : vector<16xi32>
      %sub3A_276 = arith.constant 1597463007 : i32
      %sub3A_277 = vector.broadcast %sub3A_276 : i32 to vector<16xi32>
      %sub3A_278 = arith.subi %sub3A_277, %shift_right_arithmetic3A_275 : vector<16xi32>
      %bitcast3A_279 = vector.bitcast %sub3A_278 : vector<16xi32> to vector<16xf32>
      %mul3A_280 = arith.constant 5.000000e-01 : f32
      %mul3A_281 = vector.broadcast %mul3A_280 : f32 to vector<16xf32>
      %mul3A_282 = arith.mulf %mul3A_281, %add3A_273 : vector<16xf32>
      %mul3A_283 = arith.mulf %mul3A_282, %bitcast3A_279 : vector<16xf32>
      %mul3A_284 = arith.mulf %mul3A_283, %bitcast3A_279 : vector<16xf32>
      %sub3A_285 = arith.constant 1.500000e+00 : f32
      %sub3A_286 = vector.broadcast %sub3A_285 : f32 to vector<16xf32>
      %sub3A_287 = arith.subf %sub3A_286, %mul3A_284 : vector<16xf32>
      %mul3A_288 = arith.mulf %bitcast3A_279, %sub3A_287 : vector<16xf32>
      %mul3A_289 = arith.constant 5.000000e-01 : f32
      %mul3A_290 = vector.broadcast %mul3A_289 : f32 to vector<16xf32>
      %mul3A_291 = arith.mulf %mul3A_290, %add3A_273 : vector<16xf32>
      %mul3A_292 = arith.mulf %mul3A_291, %mul3A_288 : vector<16xf32>
      %mul3A_293 = arith.mulf %mul3A_292, %mul3A_288 : vector<16xf32>
      %sub3A_294 = arith.constant 1.500000e+00 : f32
      %sub3A_295 = vector.broadcast %sub3A_294 : f32 to vector<16xf32>
      %sub3A_296 = arith.subf %sub3A_295, %mul3A_293 : vector<16xf32>
      %mul3A_297 = arith.mulf %mul3A_288, %sub3A_296 : vector<16xf32>
      %mul3A_298 = arith.mulf %add3A_273, %mul3A_297 : vector<16xf32>
      %add3A_299 = arith.addf %scan3A_223, %mul3A_298 : vector<16xf32>
      scf.yield %add3A_299 : vector<16xf32>
    }
    %scan3A_139 = arith.constant 160 : i32
    %dma_wait3A_140 = arith.constant 0 : i32
    %dma_wait3A_141 = arith.constant 0 : i32
    %dma_wait3A_142 = arith.constant 0 : i32
    %dma_wait3A_143 = tpu.memref_slice %arg7[%dma_wait3A_141, %dma_wait3A_142] : memref<40x128xf32, #tpu.memory_space<vmem>> -> memref<20x128xf32, #tpu.memory_space<vmem>>
    %dma_wait3A_144 = arith.constant 0 : i32
    %dma_wait3A_145 = arith.constant 0 : i32
    %dma_wait3A_146 = tpu.memref_slice %arg3[%dma_wait3A_144, %add3A, %dma_wait3A_140, %dma_wait3A_145] : memref<20x32x2x128xf32, #tpu.memory_space<hbm>> -> memref<20x1x1x128xf32, #tpu.memory_space<hbm>>
    %dma_wait3A_147 = tpu.memref_squeeze %dma_wait3A_146 : memref<20x1x1x128xf32, #tpu.memory_space<hbm>> -> memref<20x128xf32, #tpu.memory_space<hbm>>
    %dma_wait3A_148 = arith.constant 0 : i32
    %dma_wait3A_149 = arith.constant 0 : i32
    %dma_wait3A_150 = tpu.memref_slice %arg7[%dma_wait3A_148, %dma_wait3A_149] : memref<40x128xf32, #tpu.memory_space<vmem>> -> memref<20x128xf32, #tpu.memory_space<vmem>>
    %dma_wait3A_151 = arith.constant 0 : i32
    %dma_wait3A_152 = arith.constant 0 : i32
    %dma_wait3A_153 = tpu.memref_slice %arg3[%dma_wait3A_151, %add3A, %dma_wait3A_140, %dma_wait3A_152] : memref<20x32x2x128xf32, #tpu.memory_space<hbm>> -> memref<20x1x1x128xf32, #tpu.memory_space<hbm>>
    %dma_wait3A_154 = tpu.memref_squeeze %dma_wait3A_153 : memref<20x1x1x128xf32, #tpu.memory_space<hbm>> -> memref<20x128xf32, #tpu.memory_space<hbm>>
    tpu.wait_dma2 semaphore(%arg11 : memref<!tpu.dma_semaphore, #tpu.memory_space<semaphore_mem>>) src(%dma_wait3A_154 : memref<20x128xf32, #tpu.memory_space<hbm>>) dst(%dma_wait3A_150 : memref<20x128xf32, #tpu.memory_space<vmem>>)
    %dma_wait3A_155 = arith.constant 1 : i32
    %dma_wait3A_156 = arith.constant 20 : i32
    %dma_wait3A_157 = arith.constant 0 : i32
    %dma_wait3A_158 = tpu.memref_slice %arg7[%dma_wait3A_156, %dma_wait3A_157] : memref<40x128xf32, #tpu.memory_space<vmem>> -> memref<20x128xf32, #tpu.memory_space<vmem>>
    %dma_wait3A_159 = arith.constant 0 : i32
    %dma_wait3A_160 = arith.constant 0 : i32
    %dma_wait3A_161 = tpu.memref_slice %arg3[%dma_wait3A_159, %add3A, %dma_wait3A_155, %dma_wait3A_160] : memref<20x32x2x128xf32, #tpu.memory_space<hbm>> -> memref<20x1x1x128xf32, #tpu.memory_space<hbm>>
    %dma_wait3A_162 = tpu.memref_squeeze %dma_wait3A_161 : memref<20x1x1x128xf32, #tpu.memory_space<hbm>> -> memref<20x128xf32, #tpu.memory_space<hbm>>
    %dma_wait3A_163 = arith.constant 20 : i32
    %dma_wait3A_164 = arith.constant 0 : i32
    %dma_wait3A_165 = tpu.memref_slice %arg7[%dma_wait3A_163, %dma_wait3A_164] : memref<40x128xf32, #tpu.memory_space<vmem>> -> memref<20x128xf32, #tpu.memory_space<vmem>>
    %dma_wait3A_166 = arith.constant 0 : i32
    %dma_wait3A_167 = arith.constant 0 : i32
    %dma_wait3A_168 = tpu.memref_slice %arg3[%dma_wait3A_166, %add3A, %dma_wait3A_155, %dma_wait3A_167] : memref<20x32x2x128xf32, #tpu.memory_space<hbm>> -> memref<20x1x1x128xf32, #tpu.memory_space<hbm>>
    %dma_wait3A_169 = tpu.memref_squeeze %dma_wait3A_168 : memref<20x1x1x128xf32, #tpu.memory_space<hbm>> -> memref<20x128xf32, #tpu.memory_space<hbm>>
    tpu.wait_dma2 semaphore(%arg11 : memref<!tpu.dma_semaphore, #tpu.memory_space<semaphore_mem>>) src(%dma_wait3A_169 : memref<20x128xf32, #tpu.memory_space<hbm>>) dst(%dma_wait3A_165 : memref<20x128xf32, #tpu.memory_space<vmem>>)
    %dma_wait3A_170 = arith.constant 0 : i32
    %dma_wait3A_171 = arith.constant 0 : i32
    %dma_wait3A_172 = arith.constant 0 : i32
    %dma_wait3A_173 = tpu.memref_slice %arg8[%dma_wait3A_171, %dma_wait3A_172] : memref<30x128xf32, #tpu.memory_space<vmem>> -> memref<10x128xf32, #tpu.memory_space<vmem>>
    %dma_wait3A_174 = arith.constant 0 : i32
    %dma_wait3A_175 = arith.constant 0 : i32
    %dma_wait3A_176 = tpu.memref_slice %arg4[%dma_wait3A_170, %dma_wait3A_174, %add3A, %dma_wait3A_175] : memref<3x10x32x128xf32, #tpu.memory_space<hbm>> -> memref<1x10x1x128xf32, #tpu.memory_space<hbm>>
    %dma_wait3A_177 = tpu.memref_squeeze %dma_wait3A_176 : memref<1x10x1x128xf32, #tpu.memory_space<hbm>> -> memref<10x128xf32, #tpu.memory_space<hbm>>
    %dma_wait3A_178 = arith.constant 0 : i32
    %dma_wait3A_179 = arith.constant 0 : i32
    %dma_wait3A_180 = tpu.memref_slice %arg8[%dma_wait3A_178, %dma_wait3A_179] : memref<30x128xf32, #tpu.memory_space<vmem>> -> memref<10x128xf32, #tpu.memory_space<vmem>>
    %dma_wait3A_181 = arith.constant 0 : i32
    %dma_wait3A_182 = arith.constant 0 : i32
    %dma_wait3A_183 = tpu.memref_slice %arg4[%dma_wait3A_170, %dma_wait3A_181, %add3A, %dma_wait3A_182] : memref<3x10x32x128xf32, #tpu.memory_space<hbm>> -> memref<1x10x1x128xf32, #tpu.memory_space<hbm>>
    %dma_wait3A_184 = tpu.memref_squeeze %dma_wait3A_183 : memref<1x10x1x128xf32, #tpu.memory_space<hbm>> -> memref<10x128xf32, #tpu.memory_space<hbm>>
    tpu.wait_dma2 semaphore(%arg11 : memref<!tpu.dma_semaphore, #tpu.memory_space<semaphore_mem>>) src(%dma_wait3A_184 : memref<10x128xf32, #tpu.memory_space<hbm>>) dst(%dma_wait3A_180 : memref<10x128xf32, #tpu.memory_space<vmem>>)
    %dma_wait3A_185 = arith.constant 1 : i32
    %dma_wait3A_186 = arith.constant 10 : i32
    %dma_wait3A_187 = arith.constant 0 : i32
    %dma_wait3A_188 = tpu.memref_slice %arg8[%dma_wait3A_186, %dma_wait3A_187] : memref<30x128xf32, #tpu.memory_space<vmem>> -> memref<10x128xf32, #tpu.memory_space<vmem>>
    %dma_wait3A_189 = arith.constant 0 : i32
    %dma_wait3A_190 = arith.constant 0 : i32
    %dma_wait3A_191 = tpu.memref_slice %arg4[%dma_wait3A_185, %dma_wait3A_189, %add3A, %dma_wait3A_190] : memref<3x10x32x128xf32, #tpu.memory_space<hbm>> -> memref<1x10x1x128xf32, #tpu.memory_space<hbm>>
    %dma_wait3A_192 = tpu.memref_squeeze %dma_wait3A_191 : memref<1x10x1x128xf32, #tpu.memory_space<hbm>> -> memref<10x128xf32, #tpu.memory_space<hbm>>
    %dma_wait3A_193 = arith.constant 10 : i32
    %dma_wait3A_194 = arith.constant 0 : i32
    %dma_wait3A_195 = tpu.memref_slice %arg8[%dma_wait3A_193, %dma_wait3A_194] : memref<30x128xf32, #tpu.memory_space<vmem>> -> memref<10x128xf32, #tpu.memory_space<vmem>>
    %dma_wait3A_196 = arith.constant 0 : i32
    %dma_wait3A_197 = arith.constant 0 : i32
    %dma_wait3A_198 = tpu.memref_slice %arg4[%dma_wait3A_185, %dma_wait3A_196, %add3A, %dma_wait3A_197] : memref<3x10x32x128xf32, #tpu.memory_space<hbm>> -> memref<1x10x1x128xf32, #tpu.memory_space<hbm>>
    %dma_wait3A_199 = tpu.memref_squeeze %dma_wait3A_198 : memref<1x10x1x128xf32, #tpu.memory_space<hbm>> -> memref<10x128xf32, #tpu.memory_space<hbm>>
    tpu.wait_dma2 semaphore(%arg11 : memref<!tpu.dma_semaphore, #tpu.memory_space<semaphore_mem>>) src(%dma_wait3A_199 : memref<10x128xf32, #tpu.memory_space<hbm>>) dst(%dma_wait3A_195 : memref<10x128xf32, #tpu.memory_space<vmem>>)
    %dma_wait3A_200 = arith.constant 2 : i32
    %dma_wait3A_201 = arith.constant 20 : i32
    %dma_wait3A_202 = arith.constant 0 : i32
    %dma_wait3A_203 = tpu.memref_slice %arg8[%dma_wait3A_201, %dma_wait3A_202] : memref<30x128xf32, #tpu.memory_space<vmem>> -> memref<10x128xf32, #tpu.memory_space<vmem>>
    %dma_wait3A_204 = arith.constant 0 : i32
    %dma_wait3A_205 = arith.constant 0 : i32
    %dma_wait3A_206 = tpu.memref_slice %arg4[%dma_wait3A_200, %dma_wait3A_204, %add3A, %dma_wait3A_205] : memref<3x10x32x128xf32, #tpu.memory_space<hbm>> -> memref<1x10x1x128xf32, #tpu.memory_space<hbm>>
    %dma_wait3A_207 = tpu.memref_squeeze %dma_wait3A_206 : memref<1x10x1x128xf32, #tpu.memory_space<hbm>> -> memref<10x128xf32, #tpu.memory_space<hbm>>
    %dma_wait3A_208 = arith.constant 20 : i32
    %dma_wait3A_209 = arith.constant 0 : i32
    %dma_wait3A_210 = tpu.memref_slice %arg8[%dma_wait3A_208, %dma_wait3A_209] : memref<30x128xf32, #tpu.memory_space<vmem>> -> memref<10x128xf32, #tpu.memory_space<vmem>>
    %dma_wait3A_211 = arith.constant 0 : i32
    %dma_wait3A_212 = arith.constant 0 : i32
    %dma_wait3A_213 = tpu.memref_slice %arg4[%dma_wait3A_200, %dma_wait3A_211, %add3A, %dma_wait3A_212] : memref<3x10x32x128xf32, #tpu.memory_space<hbm>> -> memref<1x10x1x128xf32, #tpu.memory_space<hbm>>
    %dma_wait3A_214 = tpu.memref_squeeze %dma_wait3A_213 : memref<1x10x1x128xf32, #tpu.memory_space<hbm>> -> memref<10x128xf32, #tpu.memory_space<hbm>>
    tpu.wait_dma2 semaphore(%arg11 : memref<!tpu.dma_semaphore, #tpu.memory_space<semaphore_mem>>) src(%dma_wait3A_214 : memref<10x128xf32, #tpu.memory_space<hbm>>) dst(%dma_wait3A_210 : memref<10x128xf32, #tpu.memory_space<vmem>>)
    %scan3A_215 = arith.constant 0 : i32
    %scan3A_216 = arith.constant 80 : i32
    %scan3A_217 = arith.addi %scan3A_215, %scan3A_216 : i32
    %scan3A_218 = arith.constant 1 : i32
    %scan3A_219 = scf.for %scan3A_222 = %scan3A_215 to %scan3A_217 step %scan3A_218 iter_args(%scan3A_223 = %scan3A_138) -> (vector<16xf32>)  : i32 {
      %jit3A = arith.constant 8 : i32
      %div3A = arith.divsi %scan3A_222, %jit3A : i32
      %sign3A = arith.constant 0 : i32
      %sign3A_224 = arith.cmpi sgt, %scan3A_222, %sign3A : i32
      %sign3A_225 = arith.extui %sign3A_224 : i1 to i32
      %sign3A_226 = arith.constant 0 : i32
      %sign3A_227 = arith.cmpi slt, %scan3A_222, %sign3A_226 : i32
      %sign3A_228 = arith.extui %sign3A_227 : i1 to i32
      %sign3A_229 = arith.subi %sign3A_225, %sign3A_228 : i32
      %sign3A_230 = arith.constant 0 : i32
      %sign3A_231 = arith.cmpi sgt, %jit3A, %sign3A_230 : i32
      %sign3A_232 = arith.extui %sign3A_231 : i1 to i32
      %sign3A_233 = arith.constant 0 : i32
      %sign3A_234 = arith.cmpi slt, %jit3A, %sign3A_233 : i32
      %sign3A_235 = arith.extui %sign3A_234 : i1 to i32
      %sign3A_236 = arith.subi %sign3A_232, %sign3A_235 : i32
      %ne3A = arith.cmpi ne, %sign3A_229, %sign3A_236 : i32
      %rem3A = arith.remsi %scan3A_222, %jit3A : i32
      %ne3A_237 = arith.constant 0 : i32
      %ne3A_238 = arith.cmpi ne, %rem3A, %ne3A_237 : i32
      %and3A = arith.andi %ne3A, %ne3A_238 : i1
      %sub3A = arith.constant 1 : i32
      %sub3A_239 = arith.subi %div3A, %sub3A : i32
      %select_n3A = arith.select %and3A, %sub3A_239, %div3A : i32
      %jit3A_240 = arith.constant 8 : i32
      %eq3A = arith.constant 0 : i32
      %eq3A_241 = arith.cmpi eq, %jit3A_240, %eq3A : i32
      %jit3A_242 = arith.constant 1 : i32
      %select_n3A_243 = arith.select %eq3A_241, %jit3A_242, %jit3A_240 : i32
      %rem3A_244 = arith.remsi %scan3A_222, %select_n3A_243 : i32
      %ne3A_245 = arith.constant 0 : i32
      %ne3A_246 = arith.cmpi ne, %rem3A_244, %ne3A_245 : i32
      %lt3A = arith.constant 0 : i32
      %lt3A_247 = arith.cmpi slt, %rem3A_244, %lt3A : i32
      %lt3A_248 = arith.constant 0 : i32
      %lt3A_249 = arith.cmpi slt, %select_n3A_243, %lt3A_248 : i32
      %ne3A_250 = arith.xori %lt3A_247, %lt3A_249 : i1
      %and3A_251 = arith.andi %ne3A_250, %ne3A_246 : i1
      %add3A_252 = arith.addi %rem3A_244, %select_n3A_243 : i32
      %select_n3A_253 = arith.select %and3A_251, %add3A_252, %rem3A_244 : i32
      %mul3A_254 = arith.constant 16 : i32
      %mul3A_255 = arith.muli %select_n3A_253, %mul3A_254 : i32
      %add3A_256 = vector.broadcast %mul3A_255 : i32 to vector<16xi32>
      %add3A_257 = arith.addi %add3A_256, %iota3A : vector<16xi32>
      %mul3A_258 = arith.constant 0 : i32
      %mul3A_259 = vector.broadcast %mul3A_258 : i32 to vector<16xi32>
      %mul3A_260 = arith.muli %iota3A, %mul3A_259 : vector<16xi32>
      %add3A_261 = vector.broadcast %select_n3A : i32 to vector<16xi32>
      %add3A_262 = arith.addi %add3A_261, %mul3A_260 : vector<16xi32>
      %gather3A = tpu.vector_load_idx %arg8[%add3A_262, %add3A_257] : memref<30x128xf32, #tpu.memory_space<vmem>>[vector<16xi32>, vector<16xi32>], vector<16xf32>,
      %add3A_263 = arith.constant 10 : i32
      %add3A_264 = arith.addi %select_n3A, %add3A_263 : i32
      %mul3A_265 = arith.constant 0 : i32
      %mul3A_266 = vector.broadcast %mul3A_265 : i32 to vector<16xi32>
      %mul3A_267 = arith.muli %iota3A, %mul3A_266 : vector<16xi32>
      %add3A_268 = vector.broadcast %add3A_264 : i32 to vector<16xi32>
      %add3A_269 = arith.addi %add3A_268, %mul3A_267 : vector<16xi32>
      %gather3A_270 = tpu.vector_load_idx %arg8[%add3A_269, %add3A_257] : memref<30x128xf32, #tpu.memory_space<vmem>>[vector<16xi32>, vector<16xi32>], vector<16xf32>,
      %add3A_271 = arith.constant 20 : i32
      %add3A_272 = arith.addi %select_n3A, %add3A_271 : i32
      %mul3A_273 = arith.constant 0 : i32
      %mul3A_274 = vector.broadcast %mul3A_273 : i32 to vector<16xi32>
      %mul3A_275 = arith.muli %iota3A, %mul3A_274 : vector<16xi32>
      %add3A_276 = vector.broadcast %add3A_272 : i32 to vector<16xi32>
      %add3A_277 = arith.addi %add3A_276, %mul3A_275 : vector<16xi32>
      %gather3A_278 = tpu.vector_load_idx %arg8[%add3A_277, %add3A_257] : memref<30x128xf32, #tpu.memory_space<vmem>>[vector<16xi32>, vector<16xi32>], vector<16xf32>,
      %convert_element_type3A = arith.fptosi %gather3A_278 : vector<16xf32> to vector<16xi32>
      %gather3A_279 = tpu.vector_load_idx %arg7[%convert_element_type3A, %add3A_257] : memref<40x128xf32, #tpu.memory_space<vmem>>[vector<16xi32>, vector<16xi32>], vector<16xf32>,
      %gather3A_280 = tpu.vector_load_idx %arg6[%convert_element_type3A, %add3A_257] : memref<40x128xf32, #tpu.memory_space<vmem>>[vector<16xi32>, vector<16xi32>], vector<16xf32>,
      %add3A_281 = arith.addf %gather3A_279, %gather3A_280 : vector<16xf32>
      %add3A_282 = arith.constant 20 : i32
      %add3A_283 = vector.broadcast %add3A_282 : i32 to vector<16xi32>
      %add3A_284 = arith.addi %convert_element_type3A, %add3A_283 : vector<16xi32>
      %gather3A_285 = tpu.vector_load_idx %arg7[%add3A_284, %add3A_257] : memref<40x128xf32, #tpu.memory_space<vmem>>[vector<16xi32>, vector<16xi32>], vector<16xf32>,
      %add3A_286 = arith.constant 20 : i32
      %add3A_287 = vector.broadcast %add3A_286 : i32 to vector<16xi32>
      %add3A_288 = arith.addi %convert_element_type3A, %add3A_287 : vector<16xi32>
      %gather3A_289 = tpu.vector_load_idx %arg6[%add3A_288, %add3A_257] : memref<40x128xf32, #tpu.memory_space<vmem>>[vector<16xi32>, vector<16xi32>], vector<16xf32>,
      %add3A_290 = arith.addf %gather3A_285, %gather3A_289 : vector<16xf32>
      %sub3A_291 = arith.subf %add3A_281, %gather3A : vector<16xf32>
      %sub3A_292 = arith.subf %add3A_290, %gather3A_270 : vector<16xf32>
      %mul3A_293 = arith.mulf %sub3A_291, %sub3A_291 : vector<16xf32>
      %mul3A_294 = arith.mulf %sub3A_292, %sub3A_292 : vector<16xf32>
      %add3A_295 = arith.addf %mul3A_293, %mul3A_294 : vector<16xf32>
      %bitcast3A = vector.bitcast %add3A_295 : vector<16xf32> to vector<16xi32>
      %shift_right_arithmetic3A = arith.constant 1 : i32
      %shift_right_arithmetic3A_296 = vector.broadcast %shift_right_arithmetic3A : i32 to vector<16xi32>
      %shift_right_arithmetic3A_297 = arith.shrsi %bitcast3A, %shift_right_arithmetic3A_296 : vector<16xi32>
      %sub3A_298 = arith.constant 1597463007 : i32
      %sub3A_299 = vector.broadcast %sub3A_298 : i32 to vector<16xi32>
      %sub3A_300 = arith.subi %sub3A_299, %shift_right_arithmetic3A_297 : vector<16xi32>
      %bitcast3A_301 = vector.bitcast %sub3A_300 : vector<16xi32> to vector<16xf32>
      %mul3A_302 = arith.constant 5.000000e-01 : f32
      %mul3A_303 = vector.broadcast %mul3A_302 : f32 to vector<16xf32>
      %mul3A_304 = arith.mulf %mul3A_303, %add3A_295 : vector<16xf32>
      %mul3A_305 = arith.mulf %mul3A_304, %bitcast3A_301 : vector<16xf32>
      %mul3A_306 = arith.mulf %mul3A_305, %bitcast3A_301 : vector<16xf32>
      %sub3A_307 = arith.constant 1.500000e+00 : f32
      %sub3A_308 = vector.broadcast %sub3A_307 : f32 to vector<16xf32>
      %sub3A_309 = arith.subf %sub3A_308, %mul3A_306 : vector<16xf32>
      %mul3A_310 = arith.mulf %bitcast3A_301, %sub3A_309 : vector<16xf32>
      %mul3A_311 = arith.constant 5.000000e-01 : f32
      %mul3A_312 = vector.broadcast %mul3A_311 : f32 to vector<16xf32>
      %mul3A_313 = arith.mulf %mul3A_312, %add3A_295 : vector<16xf32>
      %mul3A_314 = arith.mulf %mul3A_313, %mul3A_310 : vector<16xf32>
      %mul3A_315 = arith.mulf %mul3A_314, %mul3A_310 : vector<16xf32>
      %sub3A_316 = arith.constant 1.500000e+00 : f32
      %sub3A_317 = vector.broadcast %sub3A_316 : f32 to vector<16xf32>
      %sub3A_318 = arith.subf %sub3A_317, %mul3A_315 : vector<16xf32>
      %mul3A_319 = arith.mulf %mul3A_310, %sub3A_318 : vector<16xf32>
      %mul3A_320 = arith.mulf %add3A_295, %mul3A_319 : vector<16xf32>
      %mul3A_321 = arith.constant 2.000000e+00 : f32
      %mul3A_322 = vector.broadcast %mul3A_321 : f32 to vector<16xf32>
      %mul3A_323 = arith.mulf %mul3A_322, %mul3A_320 : vector<16xf32>
      %add3A_324 = arith.addf %scan3A_223, %mul3A_323 : vector<16xf32>
      scf.yield %add3A_324 : vector<16xf32>
    }
    %scan3A_220 = arith.constant 80 : i32
    %swap3A = arith.constant 0 : index
    %swap3A_221 = tpu.vector_load %arg9[%swap3A] {strides = array<i32>} : memref<16xf32, #tpu.memory_space<vmem>>, vector<16xf32>,
    tpu.vector_store %arg9[%swap3A], %scan3A_219 {strides = array<i32>} : memref<16xf32, #tpu.memory_space<vmem>>, vector<16xf32>,
    "tpu.region"() ({
      %run_scoped3A = tpu.sem_alloc : memref<!tpu.dma_semaphore, #tpu.memory_space<semaphore_mem>>
      %dma_start3A_222 = arith.constant 0 : i32
      %dma_start3A_223 = tpu.memref_slice %arg5[%add3A, %dma_start3A_222] : memref<32x16xf32, #tpu.memory_space<hbm>> -> memref<1x16xf32, #tpu.memory_space<hbm>>
      %dma_start3A_224 = tpu.memref_squeeze %dma_start3A_223 : memref<1x16xf32, #tpu.memory_space<hbm>> -> memref<16xf32, #tpu.memory_space<hbm>>
      %dma_start3A_225 = arith.constant 0 : i32
      %dma_start3A_226 = tpu.memref_slice %arg5[%add3A, %dma_start3A_225] : memref<32x16xf32, #tpu.memory_space<hbm>> -> memref<1x16xf32, #tpu.memory_space<hbm>>
      %dma_start3A_227 = tpu.memref_squeeze %dma_start3A_226 : memref<1x16xf32, #tpu.memory_space<hbm>> -> memref<16xf32, #tpu.memory_space<hbm>>
      tpu.enqueue_dma source(%arg9 : memref<16xf32, #tpu.memory_space<vmem>>) target(%dma_start3A_227 : memref<16xf32, #tpu.memory_space<hbm>>) target_semaphore(%run_scoped3A : memref<!tpu.dma_semaphore, #tpu.memory_space<semaphore_mem>>)
      %dma_wait3A_228 = arith.constant 0 : i32
      %dma_wait3A_229 = tpu.memref_slice %arg5[%add3A, %dma_wait3A_228] : memref<32x16xf32, #tpu.memory_space<hbm>> -> memref<1x16xf32, #tpu.memory_space<hbm>>
      %dma_wait3A_230 = tpu.memref_squeeze %dma_wait3A_229 : memref<1x16xf32, #tpu.memory_space<hbm>> -> memref<16xf32, #tpu.memory_space<hbm>>
      %dma_wait3A_231 = arith.constant 0 : i32
      %dma_wait3A_232 = tpu.memref_slice %arg5[%add3A, %dma_wait3A_231] : memref<32x16xf32, #tpu.memory_space<hbm>> -> memref<1x16xf32, #tpu.memory_space<hbm>>
      %dma_wait3A_233 = tpu.memref_squeeze %dma_wait3A_232 : memref<1x16xf32, #tpu.memory_space<hbm>> -> memref<16xf32, #tpu.memory_space<hbm>>
      tpu.wait_dma2 semaphore(%run_scoped3A : memref<!tpu.dma_semaphore, #tpu.memory_space<semaphore_mem>>) src(%arg9 : memref<16xf32, #tpu.memory_space<vmem>>) dst(%dma_wait3A_233 : memref<16xf32, #tpu.memory_space<hbm>>)
      tpu.yield
    }) : () -> ()
    return
  }
}

</mosaic_0001>

<sc_bundles>
// kernel: _sc_cost.3.cloned.1.call-start
scs
__scs_entry_jumppad:
0x0: {  	(pc) =	sbr.rel $0x88, $3  }
0x1: {  	(tag) =	ssettag $0x0;
	lr =	simm.s32 $0x1  }
0x2: {  	[smem:$0x3F9E] =	sst lr;
	_ =	strace $0xD0000000  }
0x3: {  	_ = 	snop  }
0x4: {  	_ = 	snop  }
0x5: {  	_ = 	snop  }
0x6: {  	_ = 	snop  }
0x7: {  	_ = 	snop  }
__scs_overlays_trampoline_lowered:
0x8: {  	[smem:$0x3FAD] =	sst s0  }
0x9: {  	[smem:$0x3FAE] =	sst s1  }
0xa: {  	[smem:$0x3FAF] =	sst s2  }
0xb: {  	[smem:$0x3FB0] =	sst s3  }
0xc: {  	[smem:$0x3FB1] =	sst s4  }
0xd: {  	[smem:$0x3FB2] =	sst s5  }
0xe: {  	[smem:$0x3FB3] =	sst s6  }
0xf: {  	[smem:$0x3FB4] =	sst s7  }
0x10: {  	[smem:$0x3FB5] =	sst s8  }
0x11: {  	[smem:$0x3FB6] =	sst s9;
	s0 =	simm.s32 @!p0 $0x0  }
0x12: {  	s1 =	sld [smem:$0x3F9C];
	s0 =	simm.s32 @p0 $0x1  }
0x13: {  	[smem:$0x3FB7] =	sst s0;
	s0 =	simm.s32 @!p1 $0x0  }
0x14: {  	s2 =	sld [smem:$0x3F9B];
	s0 =	simm.s32 @p1 $0x1  }
0x15: {  	[smem:$0x3FB8] =	sst s0;
	s0 =	simm.s32 @!p2 $0x0  }
0x16: {  	s3 =	sld [smem:$0x3FDB];
	s0 =	simm.s32 @p2 $0x1  }
0x17: {  	s4 =	simm.s32 $0x1BF5;
	[smem:$0x3FBA] =	sst s0  }
0x18: {  	s0 =	sld [smem:$0x3F9D];
	_ =	swait.ge [sflag:s4], $0x0  }
0x19: {  	s7 =	sld [smem:$0x3F9E]  }
0x1a: {  	s8 =	sadd.s32 $0xFFFFE003, lr  }
0x1b: {  	s9 =	sadd.s32 $0xFFFFFEF7, lr;
	s5 =	simm.s32 $0xFFFFFFFF;
	p2 =	slt.u32 s8, $0xFFFFF086  }
0x1c: {  	p1 =	slt.u32 s9, $0xF7A;
	s5 =	simm.s32 @!p2 $0x0  }
0x1d: {  	s5 =	simm.s32 @p1 $0x1;
	p0 =	seq.s32 s7, s2  }
0x1e: {  	s7 =	smul.u32 @!p0 $0xF7A, s2;
	p2 =	seq.s32 @!p0 s5, $0x0  }
0x1f: {  	s9 =	smul.u32 $0xF7A, s1;
	s8 =	simm.s32 @!p0 $0x1BF5;
	p2 =	por !p2, p0  }
0x20: {  	[sflag:s8] =	ssyncset.s32 @!p0 $0xFFFFF086;
	s6 =	sadd.s32 @!p0 s3, s7;
	s7 =	simm.s32 @!p0 $0x108  }
0x21: {  	s3 =	sadd.s32 s3, s9;
	s6 =	sadd.s32 @!p0 $0x88, s6;
	s7 =	simm.s32 @p2 $0x1082  }
0x22: {  	[simem:s7], [sflag:s8] =	dma.local @!p0 [hbm:s6], $0xF7A  }
0x23: {  	s9 =	sor.u32 $0xD0000000, s2;
	s6 =	simm.s32 $0x108;
	_ =	swait.ge @!p0 [sflag:s8], $0x0  }
0x24: {  	s3 =	sadd.s32 $0x88, s3;
	s6 =	simm.s32 @!p1 $0x1082;
	[sflag:s4] =	ssyncset.s32 $0xFFFFF086  }
0x25: {  	[simem:s6], [sflag:s4] =	dma.local [hbm:s3], $0xF7A  }
0x26: {  	[smem:$0x3F9E] =	sst s1;
	(tag) =	ssettag s2;
	_ =	strace s9  }
0x27: {  	s1 =	sld [smem:$0x3FAE]  }
0x28: {  	s2 =	sld [smem:$0x3FAF]  }
0x29: {  	s4 =	sld [smem:$0x3FB1]  }
0x2a: {  	p0 =	seq.s32 s5, $0x0;
	s5 =	sld [smem:$0x3FB2]  }
0x2b: {  	s6 =	sld [smem:$0x3FB3]  }
0x2c: {  	s7 =	sld [smem:$0x3FB4]  }
0x2d: {  	s3 =	simm.s32 $0x108;
	s8 =	sld [smem:$0x3FB5]  }
0x2e: {  	s3 =	simm.s32 @!p0 $0x1082;
	s9 =	sld [smem:$0x3FB6]  }
0x2f: {  	lr =	sadd.s32 s0, s3;
	s0 =	sld [smem:$0x3FAD]  }
0x30: {  	s3 =	sld [smem:$0x3FB0]  }
0x31: {  	[smem:$0x3FB9] =	sst s10  }
0x32: {  	s10 =	sld [smem:$0x3FB7];
	_ =	sdelay $0x3  }
0x33: {  	p0 =	seq.s32 s10, $0x1;
	s10 =	sld [smem:$0x3FB9];
	_ =	sdelay $0x3  }
0x34: {  	[smem:$0x3FB9] =	sst s10  }
0x35: {  	s10 =	sld [smem:$0x3FB8];
	_ =	sdelay $0x3  }
0x36: {  	p1 =	seq.s32 s10, $0x1;
	s10 =	sld [smem:$0x3FB9];
	_ =	sdelay $0x3  }
0x37: {  	[smem:$0x3FB9] =	sst s10  }
0x38: {  	s10 =	sld [smem:$0x3FBA]  }
0x39: {  	_ = 	snop;
	(pc) =	sbr.ind lr, $3  }
0x3a: {  	_ = 	snop  }
0x3b: {  	_ = 	snop  }
0x3c: {  	p2 =	seq.s32 s10, $0x1;
	s10 =	sld [smem:$0x3FB9]  }
0x3d: {  	_ =	shalt  }
0x3e: {  	_ =	shalt  }
0x3f: {  	_ =	shalt  }
0x40: {  	_ =	shalt  }
0x41: {  	_ =	shalt  }
0x42: {  	_ =	shalt  }
0x43: {  	_ =	shalt  }
0x44: {  	_ =	shalt  }
0x45: {  	_ =	shalt  }
0x46: {  	_ =	shalt  }
0x47: {  	_ =	shalt  }
0x48: {  	_ =	shalt  }
0x49: {  	_ =	shalt  }
0x4a: {  	_ =	shalt  }
0x4b: {  	_ =	shalt  }
0x4c: {  	_ =	shalt  }
0x4d: {  	_ =	shalt  }
0x4e: {  	_ =	shalt  }
0x4f: {  	_ =	shalt  }
0x50: {  	_ =	shalt  }
0x51: {  	_ =	shalt  }
0x52: {  	_ =	shalt  }
0x53: {  	_ =	shalt  }
0x54: {  	_ =	shalt  }
0x55: {  	_ =	shalt  }
0x56: {  	_ =	shalt  }
0x57: {  	_ =	shalt  }
0x58: {  	_ =	shalt  }
0x59: {  	_ =	shalt  }
0x5a: {  	_ =	shalt  }
0x5b: {  	_ =	shalt  }
0x5c: {  	_ =	shalt  }
0x5d: {  	_ =	shalt  }
0x5e: {  	_ =	shalt  }
0x5f: {  	_ =	shalt  }
0x60: {  	_ =	shalt  }
0x61: {  	_ =	shalt  }
0x62: {  	_ =	shalt  }
0x63: {  	_ =	shalt  }
0x64: {  	_ =	shalt  }
0x65: {  	_ =	shalt  }
0x66: {  	_ =	shalt  }
0x67: {  	_ =	shalt  }
0x68: {  	_ =	shalt  }
0x69: {  	_ =	shalt  }
0x6a: {  	_ =	shalt  }
0x6b: {  	_ =	shalt  }
0x6c: {  	_ =	shalt  }
0x6d: {  	_ =	shalt  }
0x6e: {  	_ =	shalt  }
0x6f: {  	_ =	shalt  }
0x70: {  	_ =	shalt  }
0x71: {  	_ =	shalt  }
0x72: {  	_ =	shalt  }
0x73: {  	_ =	shalt  }
0x74: {  	_ =	shalt  }
0x75: {  	_ =	shalt  }
0x76: {  	_ =	shalt  }
0x77: {  	_ =	shalt  }
0x78: {  	_ =	shalt  }
0x79: {  	_ =	shalt  }
0x7a: {  	_ =	shalt  }
0x7b: {  	_ =	shalt  }
0x7c: {  	_ =	shalt  }
0x7d: {  	_ =	shalt  }
0x7e: {  	_ =	shalt  }
0x7f: {  	_ =	shalt  }
0x80: {  	_ =	shalt  }
0x81: {  	_ =	shalt  }
0x82: {  	_ =	shalt  }
0x83: {  	_ =	shalt  }
0x84: {  	_ =	shalt  }
0x85: {  	_ =	shalt  }
0x86: {  	_ =	shalt  }
0x87: {  	_ =	shalt  }
.Lfunc_end0:
.L_simem_size_0:
called_computation_lowered:
.L_overlay_start_0:
0x88: {  	s2 =	sld [smem:$0x3FD9]  }
0x89: {  	s3 =	sld [smem:$0x3FFE];
	_ =	sdelay $0x1  }
0x8a: {  	s1 =	srdreg.scid  }
0x8b: {  	s0 =	sand.u32 $0x1, s1  }
0x8c: {  	s17 =	sshll.u32 s0, $0xA;
	s2 =	sadd.s32 s3, s2  }
0x8d: {  	s2 =	sadd.s32 s2, s17  }
0x8e: {  	[smem:$0x3FC5] =	sst s2  }
0x8f: {  	_ = 	snop  }
0x90: {  	s2 =	sld [smem:$0x3FC9]  }
0x91: {  	s18 =	sld [smem:$0x3FC8]  }
0x92: {  	s4 =	sld [smem:$0x3FC7];
	(tm) =	ssettm $0x1  }
0x93: {  	s5 =	sld [smem:$0x3FFB];
	_ =	sdelay $0x3  }
0x94: {  	_ =	strace s5  }
0x95: {  	s5 =	sld [smem:$0x3FFC];
	_ =	sdelay $0x3  }
0x96: {  	_ =	strace s5  }
0x97: {  	s5 =	sld [smem:$0x3FFD];
	_ =	sdelay $0x3  }
0x98: {  	_ =	strace s5  }
0x99: {  	_ =	strace $0x8FFFFFFF  }
0x9a: {  	s19 =	sld [smem:$0x3FDB];
	_ =	sdelay $0x1  }
0x9b: {  	s6 =	simm.s32 $_scs_section_size  }
0x9c: {  	s7 =	simm.s32 $_size__tile_overlayer_lowered;
	s8 =	simm.s32 $_tile_overlayer_lowered  }
0x9d: {  	s22 =	simm.s32 $0x1BFF;
	s21 =	sshll.u32 s8, $0x1;
	s5 =	sadd.s32 s6, s19  }
0x9e: {  	s9 =	simm.s32 $0x0;
	s20 =	sshll.u32 s7, $0x1;
	s7 =	sadd.s32 s21, s5  }
0x9f: {  	[timem:s9], [sflag:s22] =	dma.local [hbm:s7], s20  }
0xa0: {  	_ =	swait.ge [sflag:s22], s20  }
0xa1: {  	s6 =	ssub.s32 $0x0, s20;
	[sflag:s22] =	ssyncset.done $0x0  }
0xa2: {  	[sflag:s22] =	ssyncadd.s32 s6;
	_ =	sdelay $0x1  }
0xa3: {  	s23 =	simm.s32 $0x1B8B  }
0xa4: {  	_ =	swait.ge [sflag:s23], $0x1  }
0xa5: {  	[sflag:s23] =	ssyncset.done $0x0  }
0xa6: {  	s25 =	simm.s32 $0x1B8E;
	s24 =	sld [smem:$0x3FFE];
	[sflag:s23] =	ssyncadd.s32 $0xFFFFFFFF  }
0xa7: {  	s26 =	simm.s32 $execute0_lowered;
	[smem:$0x3FD2] =	sst s25  }
0xa8: {  	s7 =	sshll.u32 s26, $0x1;
	_ =	strace $0x80000046;
	[dreg:$0x1] =	wrdreg $0xFFFFFFFF  }
0xa9: {  	s28 =	simm.s32 $_size_execute0_lowered;
	s5 =	sadd.s32 s5, s7;
	[dreg:$0x0] =	wrdreg $0x0  }
0xaa: {  	s7 =	sshll.u32 s28, $0x1;
	[dreg:$0x2] =	wrdreg s5  }
0xab: {  	[dreg:$0x3] =	wrdreg s7  }
0xac: {  	[dreg:$0x4] =	wrdreg $0xC0  }
0xad: {  	_ =	task [dreg:s9], $0x5FFFF  }
0xae: {  	[dreg:$0x1] =	wrdreg $0xFFFFFFFF  }
0xaf: {  	[dreg:$0x0] =	wrdreg $0x60  }
0xb0: {  	[dreg:$0x2] =	wrdreg s2  }
0xb1: {  	[dreg:$0x3] =	wrdreg s18  }
0xb2: {  	[dreg:$0x4] =	wrdreg s4  }
0xb3: {  	[dreg:$0x5] =	wrdreg s24  }
0xb4: {  	[dreg:$0x6] =	wrdreg $0x9  }
0xb5: {  	_ =	task.clear_ibuf [dreg:s9], $0x7FFFF;
	_ =	strace $0x90000046  }
0xb6: {  	s29 =	simm.s32 $0x9;
	_ =	strace $0x80000048  }
0xb7: {  	_ =	swait.ge [sflag:s29], $0x1  }
0xb8: {  	[sflag:s29] =	ssyncadd.s32 $0xFFFFFFFF  }
0xb9: {  	_ =	strace $0x90000048  }
0xba: {  	_ =	sfence  }
0xbb: {  	s30 =	sld [smem:$0x0];
	_ =	sdelay $0x2  }
0xbc: {  	s31 =	sshll.u32 s1, $0xD;
	s1 =	sshrl.u32 s1, $0x2  }
0xbd: {  	s3 =	sand.u32 $0x4000, s31;
	s1 =	sadd.s32 s1, s30  }
0xbe: {  	s0 =	sor.u32 s3, s0;
	s1 =	sshll.u32 s1, $0x11  }
0xbf: {  	s0 =	sor.u32 s1, s0  }
0xc0: {  	s0 =	sadd.s32 $0x8F2B, s0  }
0xc1: {  	[sflag:s0] =	ssyncadd.remote.s32 $0x1  }
0xc2: {  	_ =	sfence.sel $0xFFFF  }
0xc3: {  	[dreg:$0x0] =	wrdreg $0xFFFFFFFF;
	(pc) =	sbr.abs _section_cstart, $3  }
0xc4: {  	[dreg:$0x1] =	wrdreg $0xFFFFFFFF  }
0xc5: {  	_ =	task.clear_ibuf [dreg:s9], $0x2FFFF;
	_ =	strace $0x9FFFFFFF  }
0xc6: {  	(tm) =	ssettm $0x7FFFFFFF  }
0xc7: {  	_ =	shalt  }
tec
execute0_lowered:
.L_overlay_start_1:
0x0: {  	(tag) =	ssettag $0x1  }
0x1: {  	s4 =	rddreg [dreg:$0x0]  }
0x2: {  	s6 =	rddreg [dreg:$0x1]  }
0x3: {  	s7 =	rddreg [dreg:$0x2]  }
0x4: {  	s10 =	rddreg [dreg:$0x3];
	s2 =	srdreg.scid  }
0x5: {  	s1 =	stileid.u32;
	s13 =	simm.s32 $0x2000;
	s14 =	simm.s32 $0xA00  }
0x6: {  	s15 =	simm.s32 $0x1400;
	s16 =	simm.s32 $0x1E00;
	s17 =	simm.s32 $0x1000  }
0x7: {  	s18 =	simm.s32 $0x2800;
	s19 =	simm.s32 $0x2D00;
	s20 =	simm.s32 $0x3200  }
0x8: {  	s21 =	simm.s32 $0x1;
	s22 =	simm.s32 $0x2;
	s23 =	simm.s32 $0x3800  }
0x9: {  	s24 =	simm.s32 $0x3;
	s25 =	simm.s32 $0x0;
	s3 =	sand.u32 $0x1, s2  }
0xa: {  	s5 =	sshll.u32 s1, $0x1;
	s2 =	simm.s32 $0x0;
	s8 =	ssub.s32 $0x2, s3  }
0xb: {  	s5 =	sor.u32 s3, s5;
	[smem:$0x7FF] =	sst s2;
	s30 =	sshrl.u32 s8, $0x1  }
0xc: {  	s9 =	sshll.u32 s5, $0x5;
	_ =	strace $0x80000047;
	s12 =	sshll.u32 s5, $0x4  }
0xd: {  	s11 =	ssub.s32 s8, s30;
	s31 =	sor.u32 $0x10, s9;
	s3 =	sadd.s32 s4, s9  }
0xe: {  	s5 =	sadd.s32 s6, s9;
	s7 =	sadd.s32 s7, s12;
	s10 =	sadd.s32 s10, s12  }
0xf: {  	s12 =	simm.s32 $0x80;
	s4 =	sadd.s32 s4, s31;
	s6 =	sadd.s32 s6, s31  }
0x10: {  	v0 =	vlaneseq.u32;
	s8 =	sadd.s32 $0x1400, s7;
	s9 =	sadd.s32 $0x2800, s7;
	s11 =	smax.u32 s11, $0x1  }
.LBB2_1:
0x11: {  	[tilespmem:s2], [sflag:$0x1] =	stream.strided.gather [hbm4b:s3+s12], $0xA00, s13, s12, $0x38;
	[tilespmem:$0x3880] =	vst v63  }
0x12: {  	_ = 	snop  }
0x13: {  	[tilespmem:s14], [sflag:$0x1] =	stream.strided.gather [hbm4b:s4+s12], $0xA00, s13, s12, $0x38;
	[tilespmem:$0x3880] =	vst v63  }
0x14: {  	_ = 	snop  }
0x15: {  	[tilespmem:s15], [sflag:$0x2] =	stream.strided.gather [hbm4b:s5+s12], $0xA00, s13, s12, $0x38;
	[tilespmem:$0x3880] =	vst v63  }
0x16: {  	_ = 	snop  }
0x17: {  	[tilespmem:s16], [sflag:$0x2] =	stream.strided.gather [hbm4b:s6+s12], $0xA00, s13, s12, $0x38;
	[tilespmem:$0x3880] =	vst v63  }
0x18: {  	_ = 	snop  }
0x19: {  	[tilespmem:s18], [sflag:$0x2] =	stream.strided.gather [hbm4b:s7+s12], $0x500, s17, s12, $0x38;
	[tilespmem:$0x3880] =	vst v63  }
0x1a: {  	_ = 	snop  }
0x1b: {  	[tilespmem:s19], [sflag:$0x2] =	stream.strided.gather [hbm4b:s8+s12], $0x500, s17, s12, $0x38;
	[tilespmem:$0x3880] =	vst v63  }
0x1c: {  	s26 =	sand.u32 $0x70, s2;
	s28 =	simm.s32 $0x0  }
0x1d: {  	[tilespmem:s20], [sflag:$0x2] =	stream.strided.gather [hbm4b:s9+s12], $0x500, s17, s12, $0x38;
	[tilespmem:$0x3880] =	vst v63  }
0x1e: {  	v1 =	vor.u32 s26, v0;
	s0 =	sand.u32 $0xFFFFFF80, s28;
	_ =	swait.ge [sflag:s21], $0xA00  }
0x1f: {  	v2 =	vor.u32 s0, v1;
	s26 =	sadd.s32 $0xA00, s0;
	[sflag:s21] =	ssyncset.done $0x0  }
0x20: {  	v1 =	vor.u32 s26, v1;
	[sflag:s21] =	ssyncadd.s32 $0xFFFFF600  }
0x21: {  	_ =	swait.ge [sflag:s21], $0xA00  }
0x22: {  	[sflag:s21] =	ssyncset.done $0x0  }
0x23: {  	s30 =	simm.s32 $0x10;
	[sflag:s21] =	ssyncadd.s32 $0xFFFFF600  }
0x24: {  	s28 =	simm.s32 $0x10;
	s26 =	sand.u32 $0x70, s30;
	v2 =	vld.idx.msk [tilespmem:v2+s2+$0x0], $0xffff  }
0x25: {  	s31 =	sand.u32 $0xFFFFFF80, s28;
	v3 =	vor.u32 s26, v0;
	v1 =	vld.idx.msk [tilespmem:v1+s2+$0x0], $0xffff  }
0x26: {  	s26 =	sadd.s32 $0xA00, s31;
	v4 =	vor.u32 s31, v3  }
0x27: {  	v3 =	vor.u32 s26, v3;
	_ =	sdelay $0x1  }
0x28: {  	s0 =	simm.s32 $0x20  }
0x29: {  	s28 =	simm.s32 $0x20;
	s26 =	sand.u32 $0x70, s0;
	v2 =	vmul.f32 v2, v2;
	v1 =	vmul.f32 v1, v1  }
0x2a: {  	s30 =	sand.u32 $0xFFFFFF80, s28;
	v6 =	vor.u32 s26, v0;
	v5 =	vld.idx.msk [tilespmem:v4+s2+$0x0], $0xffff  }
0x2b: {  	s26 =	sadd.s32 $0xA00, s30;
	v3 =	vld.idx.msk [tilespmem:v3+s2+$0x0], $0xffff;
	v4 =	vadd.f32 v1, v2;
	v1 =	vor.u32 s30, v6  }
0x2c: {  	v2 =	vor.u32 s26, v6  }
0x2d: {  	v6 =	vshra.s32 v4, $0x1;
	v7 =	vmul.f32 $5.000000000e-01, v4  }
0x2e: {  	s31 =	simm.s32 $0x30;
	v6 =	vsub.s32 $0x5F3759DF, v6  }
0x2f: {  	s28 =	simm.s32 $0x30;
	s26 =	sand.u32 $0x70, s31;
	v8 =	vmul.f32 v6, v7  }
0x30: {  	s0 =	sand.u32 $0xFFFFFF80, s28;
	v5 =	vmul.f32 v5, v5;
	v3 =	vmul.f32 v3, v3;
	v9 =	vor.u32 s26, v0;
	v1 =	vld.idx.msk [tilespmem:v1+s2+$0x0], $0xffff  }
0x31: {  	v10 =	vor.u32 s0, v9;
	v2 =	vld.idx.msk [tilespmem:v2+s2+$0x0], $0xffff;
	v8 =	vmul.f32 v6, v8  }
0x32: {  	v3 =	vadd.f32 v3, v5  }
0x33: {  	s26 =	sadd.s32 $0xA00, s0;
	v5 =	vsub.f32 $1.500000000e+00, v8  }
0x34: {  	v14 =	vmul.f32 $5.000000000e-01, v3;
	v8 =	vor.u32 s26, v9;
	v9 =	vshra.s32 v3, $0x1  }
0x35: {  	s30 =	simm.s32 $0x40;
	v11 =	vsub.s32 $0x5F3759DF, v9;
	v13 =	vmul.f32 v6, v5;
	v1 =	vmul.f32 v1, v1  }
0x36: {  	s26 =	sand.u32 $0x70, s30;
	v5 =	vmul.f32 v11, v14;
	v6 =	vld.idx.msk [tilespmem:v10+s2+$0x0], $0xffff;
	v2 =	vmul.f32 v2, v2  }
0x37: {  	s28 =	simm.s32 $0x40;
	v10 =	vor.u32 s26, v0  }
0x38: {  	s31 =	sand.u32 $0xFFFFFF80, s28;
	v7 =	vmul.f32 v13, v7;
	v5 =	vmul.f32 v11, v5;
	v1 =	vadd.f32 v2, v1  }
0x39: {  	v15 =	vor.u32 s31, v10  }
0x3a: {  	s28 =	sadd.s32 $0xA00, s31;
	v16 =	vld.idx.msk [tilespmem:v8+s2+$0x0], $0xffff;
	v7 =	vmul.f32 v7, v13;
	v8 =	vsub.f32 $1.500000000e+00, v5;
	v12 =	vshra.s32 v1, $0x1  }
0x3b: {  	v9 =	vmul.f32 v6, v6;
	v6 =	vsub.s32 $0x5F3759DF, v12;
	v12 =	vor.u32 s28, v10  }
0x3c: {  	v5 =	vmul.f32 $5.000000000e-01, v1;
	v17 =	vsub.f32 $1.500000000e+00, v7  }
0x3d: {  	s26 =	simm.s32 $0x50;
	v7 =	vmul.f32 v11, v8  }
0x3e: {  	s29 =	simm.s32 $0x50;
	v2 =	vimm.f32 $0.0e+00;
	s28 =	sand.u32 $0x70, s26;
	v11 =	vmul.f32 v6, v5;
	v10 =	vmul.f32 v17, v13  }
0x3f: {  	s29 =	sand.u32 $0xFFFFFF80, s29;
	v8 =	vld.idx.msk [tilespmem:v15+s2+$0x0], $0xffff;
	v15 =	vor.u32 s28, v0;
	s28 =	simm.s32 $0x6;
	v13 =	vmul.f32 v16, v16;
	v14 =	vmul.f32 v7, v14  }
.LBB2_2:
0x40: {  	p0 =	sne.s32 s28, $0x9F;
	v16 =	vor.u32 s29, v15;
	v17 =	vld.idx.msk [tilespmem:v12+s2+$0x0], $0xffff;
	v11 =	vmul.f32 v6, v11;
	v10 =	vmul.f32 v10, v4;
	v4 =	vmovc v3  }
0x41: {  	s29 =	sadd.s32 $0xA00, s29;
	v3 =	vmov v1;
	v14 =	vmul.f32 v14, v7;
	v1 =	vadd.f32 v13, v9  }
.Ltmp0:
0x42: {  	v12 =	vor.u32 s29, v15;
	v11 =	vsub.f32 $1.500000000e+00, v11;
	v2 =	vadd.f32 v10, v2;
	(pc) =	sbr.rel @p0 .LBB2_2-.Ltmp0, $4  }
0x43: {  	v10 =	vshra.s32 v1, $0x1;
	v18 =	vmul.f32 $5.000000000e-01, v1;
	v13 =	vsub.f32 $1.500000000e+00, v14  }
0x44: {  	s26 =	sadd.s32 $0x10, s26;
	v9 =	vmul.f32 v8, v8;
	v19 =	vmul.f32 v6, v11;
	v6 =	vsub.s32 $0x5F3759DF, v10  }
0x45: {  	s30 =	sshll.u32 s28, $0x4;
	s29 =	sand.u32 $0x70, s26;
	v8 =	vld.idx.msk [tilespmem:v16+s2+$0x0], $0xffff;
	v11 =	vmul.f32 v6, v18;
	v10 =	vmul.f32 v13, v7  }
0x46: {  	s28 =	sadd.s32 $0x1, s28;
	v15 =	vor.u32 s29, v0;
	s29 =	sand.u32 $0xFFFFFF80, s30;
	v13 =	vmul.f32 v17, v17;
	v14 =	vmul.f32 v19, v5;
	v5 =	vmovc v18;
	v7 =	vmovc v19  }
0x47: {  	v16 =	vor.u32 s29, v15;
	s26 =	sadd.s32 $0xA00, s29  }
0x48: {  	v15 =	vor.u32 s26, v15;
	_ =	sdelay $0x2  }
0x49: {  	v12 =	vld.idx.msk [tilespmem:v12+s2+$0x0], $0xffff  }
0x4a: {  	v16 =	vld.idx.msk [tilespmem:v16+s2+$0x0], $0xffff  }
0x4b: {  	v15 =	vld.idx.msk [tilespmem:v15+s2+$0x0], $0xffff;
	_ =	swait.ge [sflag:s22], $0xA00  }
0x4c: {  	[sflag:s22] =	ssyncset.done $0x0  }
0x4d: {  	[sflag:s22] =	ssyncadd.s32 $0xFFFFF600  }
0x4e: {  	_ =	swait.ge [sflag:s22], $0xA00  }
0x4f: {  	[sflag:s22] =	ssyncset.done $0x0  }
0x50: {  	[sflag:s22] =	ssyncadd.s32 $0xFFFFF600  }
0x51: {  	_ =	swait.ge [sflag:s22], $0x500  }
0x52: {  	s31 =	simm.s32 $0x0;
	s28 =	simm.s32 $0x0;
	[sflag:s22] =	ssyncset.done $0x0  }
0x53: {  	s26 =	sand.u32 $0x70, s31;
	s29 =	sand.u32 $0xFFFFFF80, s28;
	[sflag:s22] =	ssyncadd.s32 $0xFFFFFB00  }
0x54: {  	v17 =	vor.u32 s26, v0;
	s0 =	sadd.s32 $0xA00, s29;
	_ =	swait.ge [sflag:s22], $0x500  }
0x55: {  	v18 =	vor.u32 s0, v17;
	[sflag:s22] =	ssyncset.done $0x0  }
0x56: {  	v11 =	vmul.f32 v6, v11;
	v9 =	vadd.f32 v13, v9;
	[sflag:s22] =	ssyncadd.s32 $0xFFFFFB00  }
0x57: {  	v13 =	vmul.f32 v14, v7;
	_ =	swait.ge [sflag:s22], $0x500  }
0x58: {  	v4 =	vmul.f32 v10, v4;
	v10 =	vsub.f32 $1.500000000e+00, v11;
	v14 =	vshra.s32 v9, $0x1;
	[sflag:s22] =	ssyncset.done $0x0  }
0x59: {  	s31 =	simm.s32 $0x10;
	s28 =	simm.s32 $0x10;
	v19 =	vmul.f32 $5.000000000e-01, v9;
	v13 =	vsub.f32 $1.500000000e+00, v13;
	v8 =	vmul.f32 v8, v8;
	[sflag:s22] =	ssyncadd.s32 $0xFFFFFB00  }
0x5a: {  	s26 =	sand.u32 $0x70, s31;
	s28 =	sand.u32 $0xFFFFFF80, s28;
	v11 =	vsub.s32 $0x5F3759DF, v14;
	v6 =	vmul.f32 v6, v10;
	v10 =	vmul.f32 v12, v12;
	v18 =	vld.idx.msk [tilespmem:v18+s18+$0x0], $0xffff  }
0x5b: {  	s0 =	sadd.s32 $0xA00, s28;
	v14 =	vmul.f32 v11, v19;
	v7 =	vmul.f32 v13, v7;
	v13 =	vor.u32 s26, v0  }
0x5c: {  	v5 =	vmul.f32 v6, v5;
	v8 =	vadd.f32 v10, v8;
	v10 =	vor.u32 s0, v13  }
0x5d: {  	v2 =	vadd.f32 v4, v2;
	v12 =	vmul.f32 v11, v14  }
0x5e: {  	s31 =	simm.s32 $0x20;
	v21 =	vor.u32 s29, v17;
	v3 =	vmul.f32 v7, v3;
	v5 =	vmul.f32 v5, v6  }
0x5f: {  	s31 =	sand.u32 $0x70, s31;
	v12 =	vsub.f32 $1.500000000e+00, v12;
	v16 =	vmul.f32 v16, v16;
	v14 =	vtrunc.f32 v18  }
0x60: {  	v23 =	vor.u32 s31, v0;
	v15 =	vmul.f32 v15, v15;
	v14 =	vcvt.f32.s32 v14  }
0x61: {  	s30 =	simm.s32 $0x20;
	v20 =	vmul.f32 $5.000000000e-01, v8;
	v5 =	vsub.f32 $1.500000000e+00, v5;
	v11 =	vmul.f32 v11, v12;
	v10 =	vld.idx.msk [tilespmem:v10+s18+$0x0], $0xffff  }
0x62: {  	s0 =	sand.u32 $0xFFFFFF80, s30;
	v15 =	vadd.f32 v15, v16;
	v18 =	vshra.s32 v8, $0x1;
	v14 =	vshll.u32 v14, $0x7  }
0x63: {  	s30 =	sadd.s32 $0xA00, s0;
	v16 =	vmul.f32 v11, v19;
	v18 =	vsub.s32 $0x5F3759DF, v18;
	v14 =	vor.u32 v17, v14  }
0x64: {  	v24 =	vor.u32 s30, v23;
	v5 =	vmul.f32 v5, v6;
	v12 =	vmul.f32 v18, v20  }
0x65: {  	v22 =	vmul.f32 $5.000000000e-01, v15;
	v16 =	vmul.f32 v16, v11;
	v7 =	vadd.s32 $0xA00, v14  }
0x66: {  	v19 =	vshra.s32 v15, $0x1;
	v10 =	vtrunc.f32 v10;
	v12 =	vmul.f32 v18, v12  }
0x67: {  	s29 =	sadd.s32 $0x500, s29;
	v19 =	vsub.s32 $0x5F3759DF, v19;
	v6 =	vsub.f32 $1.500000000e+00, v16;
	v21 =	vld.idx.msk [tilespmem:v21+s18+$0x0], $0xffff;
	v10 =	vcvt.f32.s32 v10  }
0x68: {  	v26 =	vmul.f32 v19, v22;
	v17 =	vor.u32 s29, v17;
	v12 =	vsub.f32 $1.500000000e+00, v12;
	v25 =	vld.idx.msk [tilespmem:v14+s15+$0x0], $0xffff  }
0x69: {  	v6 =	vmul.f32 v6, v11;
	v11 =	vor.u32 s28, v13;
	v10 =	vshll.u32 v10, $0x7;
	v14 =	vld.idx.msk [tilespmem:v14+s2+$0x0], $0xffff  }
0x6a: {  	v10 =	vor.u32 v13, v10;
	v4 =	vmul.f32 v18, v12;
	v12 =	vmul.f32 v19, v26;
	v16 =	vld.idx.msk [tilespmem:v7+s15+$0x0], $0xffff  }
0x6b: {  	v2 =	vadd.f32 v3, v2;
	v1 =	vmul.f32 v5, v1;
	v3 =	vmul.f32 v6, v9;
	v7 =	vld.idx.msk [tilespmem:v7+s2+$0x0], $0xffff  }
0x6c: {  	v9 =	vadd.s32 $0xA00, v10;
	v18 =	vmul.f32 v4, v20;
	v12 =	vsub.f32 $1.500000000e+00, v12;
	v20 =	vld.idx.msk [tilespmem:v24+s18+$0x0], $0xffff  }
0x6d: {  	s30 =	simm.s32 $0x30;
	s28 =	sadd.s32 $0x500, s28;
	s29 =	simm.s32 $0x30;
	v17 =	vld.idx.msk [tilespmem:v17+s18+$0x0], $0xffff  }
0x6e: {  	s30 =	sand.u32 $0xFFFFFF80, s30;
	v1 =	vadd.f32 v1, v2;
	v11 =	vld.idx.msk [tilespmem:v11+s18+$0x0], $0xffff;
	v13 =	vor.u32 s28, v13;
	s29 =	sand.u32 $0x70, s29;
	v6 =	vmul.f32 v19, v12  }
0x6f: {  	v5 =	vmul.f32 v18, v4;
	v19 =	vld.idx.msk [tilespmem:v10+s15+$0x0], $0xffff;
	v12 =	vadd.f32 v14, v25;
	v14 =	vor.u32 s29, v0;
	s29 =	sadd.s32 $0xA00, s30  }
0x70: {  	v10 =	vld.idx.msk [tilespmem:v10+s2+$0x0], $0xffff;
	v7 =	vadd.f32 v7, v16;
	v16 =	vmul.f32 v6, v22;
	v18 =	vor.u32 s29, v14  }
0x71: {  	v2 =	vld.idx.msk [tilespmem:v9+s15+$0x0], $0xffff;
	v5 =	vsub.f32 $1.500000000e+00, v5;
	v20 =	vtrunc.f32 v20;
	v12 =	vsub.f32 v12, v21  }
0x72: {  	v9 =	vld.idx.msk [tilespmem:v9+s2+$0x0], $0xffff;
	v7 =	vsub.f32 v7, v17;
	v16 =	vmul.f32 v16, v6;
	v17 =	vcvt.f32.s32 v20  }
0x73: {  	v4 =	vmul.f32 v5, v4;
	v12 =	vmul.f32 v12, v12  }
0x74: {  	v7 =	vmul.f32 v7, v7;
	v5 =	vsub.f32 $1.500000000e+00, v16;
	v16 =	vshll.u32 v17, $0x7  }
0x75: {  	v10 =	vadd.f32 v10, v19;
	v4 =	vmul.f32 v4, v8;
	v17 =	vld.idx.msk [tilespmem:v18+s18+$0x0], $0xffff;
	v8 =	vor.u32 v23, v16  }
0x76: {  	v3 =	vadd.f32 v3, v1;
	v1 =	vadd.f32 v7, v12;
	v7 =	vld.idx.msk [tilespmem:v13+s18+$0x0], $0xffff  }
0x77: {  	s28 =	simm.s32 $0x40;
	v2 =	vadd.f32 v9, v2;
	v10 =	vsub.f32 v10, v11;
	v13 =	vadd.s32 $0xA00, v8  }
0x78: {  	s28 =	sand.u32 $0x70, s28;
	s29 =	simm.s32 $0x40;
	v5 =	vmul.f32 v5, v6;
	v6 =	vshra.s32 v1, $0x1;
	v16 =	vmul.f32 $5.000000000e-01, v1  }
0x79: {  	s26 =	sand.u32 $0xFFFFFF80, s29;
	v12 =	vor.u32 s0, v23;
	v18 =	vsub.s32 $0x5F3759DF, v6;
	v6 =	vor.u32 s28, v0;
	s28 =	sadd.s32 $0x500, s0  }
0x7a: {  	v10 =	vmul.f32 v10, v10;
	v9 =	vmul.f32 v18, v16;
	v19 =	vor.u32 s28, v23;
	s28 =	sadd.s32 $0xA00, s26;
	v20 =	vld.idx.msk [tilespmem:v8+s15+$0x0], $0xffff  }
0x7b: {  	v17 =	vtrunc.f32 v17;
	v22 =	vld.idx.msk [tilespmem:v8+s2+$0x0], $0xffff;
	v2 =	vsub.f32 v2, v7;
	v21 =	vor.u32 s28, v6  }
0x7c: {  	v7 =	vcvt.f32.s32 v17;
	v62 =	vld.idx.msk [tilespmem:v13+s15+$0x0], $0xffff;
	v9 =	vmul.f32 v18, v9  }
0x7d: {  	v11 =	vadd.f32 v4, v3;
	v5 =	vmul.f32 v5, v15;
	v63 =	vld.idx.msk [tilespmem:v13+s2+$0x0], $0xffff;
	v2 =	vmul.f32 v2, v2  }
0x7e: {  	v23 =	vor.u32 s30, v14;
	v13 =	vld.idx.msk [tilespmem:v12+s18+$0x0], $0xffff;
	v7 =	vshll.u32 v7, $0x7;
	v9 =	vsub.f32 $1.500000000e+00, v9  }
0x7f: {  	s29 =	simm.s32 $0x50;
	v15 =	vor.u32 v14, v7;
	v3 =	vadd.f32 v2, v10;
	v2 =	vadd.f32 v5, v11;
	v11 =	vld.idx.msk [tilespmem:v19+s18+$0x0], $0xffff  }
0x80: {  	s0 =	sand.u32 $0x70, s29;
	s30 =	sadd.s32 $0x500, s30;
	v4 =	vmul.f32 v18, v9;
	v19 =	vld.idx.msk [tilespmem:v21+s18+$0x0], $0xffff  }
0x81: {  	v8 =	vor.u32 s0, v0;
	s28 =	simm.s32 $0x50;
	v14 =	vor.u32 s30, v14;
	v18 =	vadd.s32 $0xA00, v15  }
0x82: {  	s28 =	sand.u32 $0xFFFFFF80, s28;
	v7 =	vshra.s32 v3, $0x1;
	v5 =	vmul.f32 $5.000000000e-01, v3;
	v9 =	vmul.f32 v4, v16  }
0x83: {  	s0 =	sadd.s32 $0xA00, s28;
	v12 =	vld.idx.msk [tilespmem:v23+s18+$0x0], $0xffff;
	v20 =	vadd.f32 v22, v20;
	v21 =	vadd.f32 v63, v62;
	v7 =	vsub.s32 $0x5F3759DF, v7  }
0x84: {  	v17 =	vor.u32 s0, v8;
	s30 =	simm.s32 $0x6;
	v10 =	vld.idx.msk [tilespmem:v15+s15+$0x0], $0xffff;
	v16 =	vmul.f32 v7, v5;
	v9 =	vmul.f32 v9, v4  }
.LBB2_4:
0x85: {  	p0 =	sne.s32 s30, $0x4F;
	v19 =	vtrunc.f32 v19;
	v22 =	vld.idx.msk [tilespmem:v15+s2+$0x0], $0xffff;
	v13 =	vsub.f32 v20, v13;
	v11 =	vsub.f32 v21, v11  }
0x86: {  	v15 =	vcvt.f32.s32 v19;
	v21 =	vld.idx.msk [tilespmem:v18+s15+$0x0], $0xffff;
	v16 =	vmul.f32 v7, v16;
	v9 =	vsub.f32 $1.500000000e+00, v9  }
0x87: {  	s29 =	sadd.s32 $0x10, s29;
	v20 =	vor.u32 s26, v6;
	v23 =	vld.idx.msk [tilespmem:v18+s2+$0x0], $0xffff;
	v26 =	vmul.f32 v13, v13;
	v18 =	vmul.f32 v11, v11  }
0x88: {  	s0 =	sshll.u32 s30, $0x4;
	s31 =	sand.u32 $0x70, s29;
	v15 =	vshll.u32 v15, $0x7;
	v11 =	vld.idx.msk [tilespmem:v14+s18+$0x0], $0xffff;
	v16 =	vsub.f32 $1.500000000e+00, v16;
	v9 =	vmul.f32 v9, v4  }
0x89: {  	v24 =	vor.u32 s31, v0;
	s31 =	sadd.s32 $0x500, s26;
	s26 =	smov.u32 s28;
	s28 =	sand.u32 $0xFFFFFF80, s0;
	v19 =	vld.idx.msk [tilespmem:v17+s18+$0x0], $0xffff;
	v15 =	vor.u32 v6, v15;
	v25 =	vadd.f32 v18, v26;
	v13 =	vmovc v12  }
.Ltmp1:
0x8a: {  	s0 =	sadd.s32 $0xA00, s28;
	v14 =	vor.u32 s31, v6;
	v6 =	vmovc v8;
	v8 =	vmovc v24;
	v4 =	vmul.f32 v7, v16;
	v7 =	vmul.f32 v9, v1;
	(pc) =	sbr.rel @p0 .LBB2_4-.Ltmp1, $4  }
0x8b: {  	v17 =	vor.u32 s0, v8;
	v18 =	vadd.s32 $0xA00, v15;
	v1 =	vmovc v3;
	v9 =	vshra.s32 v25, $0x1;
	v3 =	vmovc v25  }
0x8c: {  	v24 =	vmul.f32 v4, v5;
	v5 =	vmul.f32 $5.000000000e-01, v3;
	v25 =	vadd.f32 v7, v7  }
0x8d: {  	v21 =	vadd.f32 v23, v21;
	v7 =	vsub.s32 $0x5F3759DF, v9;
	v12 =	vld.idx.msk [tilespmem:v20+s18+$0x0], $0xffff;
	v20 =	vadd.f32 v22, v10  }
0x8e: {  	s30 =	sadd.s32 $0x1, s30;
	v10 =	vld.idx.msk [tilespmem:v15+s15+$0x0], $0xffff;
	v16 =	vmul.f32 v7, v5;
	v9 =	vmul.f32 v24, v4;
	v2 =	vadd.f32 v25, v2  }
0x8f: {  	_ =	sdelay $0x3  }
0x90: {  	v17 =	vld.idx.msk [tilespmem:v17+s18+$0x0], $0xffff  }
0x91: {  	v19 =	vtrunc.f32 v19  }
0x92: {  	v19 =	vcvt.f32.s32 v19  }
0x93: {  	v22 =	vor.u32 s26, v6;
	s0 =	sadd.s32 $0x500, s26  }
0x94: {  	v15 =	vld.idx.msk [tilespmem:v15+s2+$0x0], $0xffff;
	v55 =	vor.u32 s0, v6;
	v19 =	vshll.u32 v19, $0x7  }
0x95: {  	v23 =	vld.idx.msk [tilespmem:v18+s15+$0x0], $0xffff;
	v19 =	vor.u32 v6, v19;
	v17 =	vtrunc.f32 v17  }
0x96: {  	v54 =	vld.idx.msk [tilespmem:v18+s2+$0x0], $0xffff;
	v17 =	vcvt.f32.s32 v17  }
0x97: {  	v14 =	vld.idx.msk [tilespmem:v14+s18+$0x0], $0xffff;
	v24 =	vadd.s32 $0xA00, v19  }
0x98: {  	v22 =	vld.idx.msk [tilespmem:v22+s18+$0x0], $0xffff;
	v17 =	vshll.u32 v17, $0x7  }
0x99: {  	v6 =	vld.idx.msk [tilespmem:v55+s18+$0x0], $0xffff;
	v17 =	vor.u32 v8, v17  }
0x9a: {  	v25 =	vld.idx.msk [tilespmem:v19+s15+$0x0], $0xffff  }
0x9b: {  	v19 =	vld.idx.msk [tilespmem:v19+s2+$0x0], $0xffff;
	v27 =	vadd.s32 $0xA00, v17  }
0x9c: {  	v13 =	vsub.f32 v20, v13;
	v26 =	vld.idx.msk [tilespmem:v24+s15+$0x0], $0xffff  }
0x9d: {  	v11 =	vsub.f32 v21, v11;
	v56 =	vor.u32 s28, v8;
	s31 =	sadd.s32 $0x500, s28;
	v16 =	vmul.f32 v7, v16;
	v24 =	vld.idx.msk [tilespmem:v24+s2+$0x0], $0xffff  }
0x9e: {  	v58 =	vor.u32 s31, v8;
	v10 =	vadd.f32 v15, v10;
	v57 =	vadd.f32 v54, v23;
	v59 =	vld.idx.msk [tilespmem:v17+s15+$0x0], $0xffff  }
0x9f: {  	v13 =	vmul.f32 v13, v13;
	v33 =	vsub.f32 $1.500000000e+00, v16;
	v17 =	vld.idx.msk [tilespmem:v17+s2+$0x0], $0xffff  }
0xa0: {  	v11 =	vmul.f32 v11, v11;
	v10 =	vsub.f32 v10, v12;
	v60 =	vsub.f32 v57, v14;
	v61 =	vld.idx.msk [tilespmem:v27+s15+$0x0], $0xffff  }
0xa1: {  	v37 =	vmul.f32 v7, v33;
	v62 =	vld.idx.msk [tilespmem:v27+s2+$0x0], $0xffff  }
0xa2: {  	v11 =	vadd.f32 v11, v13;
	v63 =	vld.idx.msk [tilespmem:v56+s18+$0x0], $0xffff;
	v10 =	vmul.f32 v10, v10;
	v12 =	vmul.f32 v60, v60  }
0xa3: {  	v5 =	vmul.f32 v37, v5;
	v8 =	vld.idx.msk [tilespmem:v58+s18+$0x0], $0xffff;
	v19 =	vadd.f32 v19, v25;
	v27 =	vadd.f32 v24, v26  }
0xa4: {  	v28 =	vmul.f32 $5.000000000e-01, v11;
	v10 =	vadd.f32 v12, v10  }
0xa5: {  	v5 =	vmul.f32 v5, v37;
	v29 =	vsub.f32 v19, v22;
	v6 =	vsub.f32 v27, v6  }
0xa6: {  	v25 =	vshra.s32 v11, $0x1;
	v17 =	vadd.f32 v17, v59;
	v13 =	vadd.f32 v62, v61  }
0xa7: {  	v31 =	vshra.s32 v10, $0x1;
	v30 =	vsub.s32 $0x5F3759DF, v25;
	v12 =	vmul.f32 v29, v29  }
0xa8: {  	v6 =	vmul.f32 v6, v6;
	v15 =	vsub.f32 v17, v63;
	v8 =	vsub.f32 v13, v8  }
0xa9: {  	v32 =	vmul.f32 $5.000000000e-01, v10;
	v18 =	vsub.s32 $0x5F3759DF, v31;
	v20 =	vmul.f32 v30, v28  }
0xaa: {  	v6 =	vadd.f32 v6, v12;
	v36 =	vmul.f32 v15, v15;
	v8 =	vmul.f32 v8, v8  }
0xab: {  	v35 =	vmul.f32 v18, v32;
	v34 =	vmul.f32 v30, v20  }
0xac: {  	v40 =	vshra.s32 v6, $0x1;
	v41 =	vmul.f32 $5.000000000e-01, v6;
	v8 =	vadd.f32 v8, v36  }
0xad: {  	v39 =	vmul.f32 v18, v35;
	v38 =	vsub.f32 $1.500000000e+00, v34;
	v44 =	vsub.s32 $0x5F3759DF, v40  }
0xae: {  	v16 =	vmul.f32 v44, v41;
	v45 =	vshra.s32 v8, $0x1;
	v46 =	vmul.f32 $5.000000000e-01, v8  }
0xaf: {  	v43 =	vsub.f32 $1.500000000e+00, v39;
	v42 =	vmul.f32 v30, v38;
	v47 =	vsub.s32 $0x5F3759DF, v45  }
0xb0: {  	v9 =	vsub.f32 $1.500000000e+00, v9;
	v16 =	vmul.f32 v44, v16;
	v19 =	vmul.f32 v47, v46  }
0xb1: {  	v13 =	vmul.f32 v18, v43;
	v48 =	vmul.f32 v42, v28  }
0xb2: {  	v4 =	vmul.f32 v9, v4;
	v49 =	vsub.f32 $1.500000000e+00, v16;
	v50 =	vmul.f32 v47, v19  }
0xb3: {  	v5 =	vsub.f32 $1.500000000e+00, v5;
	v14 =	vmul.f32 v13, v32;
	v51 =	vmul.f32 v48, v42  }
0xb4: {  	v1 =	vmul.f32 v4, v1;
	v52 =	vmul.f32 v44, v49;
	v53 =	vsub.f32 $1.500000000e+00, v50  }
0xb5: {  	v5 =	vmul.f32 v5, v37;
	v14 =	vmul.f32 v14, v13;
	v54 =	vsub.f32 $1.500000000e+00, v51  }
0xb6: {  	v15 =	vmul.f32 v52, v41;
	v9 =	vmul.f32 v47, v53  }
0xb7: {  	v1 =	vadd.f32 v1, v1;
	v3 =	vmul.f32 v5, v3;
	v55 =	vmul.f32 v54, v42  }
0xb8: {  	v56 =	vsub.f32 $1.500000000e+00, v14;
	v57 =	vmul.f32 v15, v52;
	v58 =	vmul.f32 v9, v46  }
0xb9: {  	v1 =	vadd.f32 v1, v2;
	v2 =	vadd.f32 v3, v3;
	v3 =	vmul.f32 v55, v11  }
0xba: {  	v59 =	vmul.f32 v56, v13;
	v60 =	vsub.f32 $1.500000000e+00, v57;
	v61 =	vmul.f32 v58, v9  }
0xbb: {  	v1 =	vadd.f32 v2, v1;
	v2 =	vadd.f32 v3, v3  }
0xbc: {  	v3 =	vmul.f32 v59, v10;
	v4 =	vmul.f32 v60, v52;
	v62 =	vsub.f32 $1.500000000e+00, v61  }
0xbd: {  	v1 =	vadd.f32 v2, v1  }
0xbe: {  	v2 =	vadd.f32 v3, v3;
	v3 =	vmul.f32 v4, v6;
	v63 =	vmul.f32 v62, v9;
	_ =	sdelay $0x1  }
0xbf: {  	v1 =	vadd.f32 v2, v1;
	v2 =	vadd.f32 v3, v3;
	v3 =	vmul.f32 v63, v8;
	_ =	sdelay $0x1  }
0xc0: {  	v1 =	vadd.f32 v2, v1;
	v2 =	vadd.f32 v3, v3;
	_ =	sdelay $0x1  }
0xc1: {  	s25 =	sadd.s32 $0x1, s25;
	v1 =	vadd.f32 v2, v1  }
0xc2: {  	p0 =	sne.s32 s25, s11  }
.Ltmp2:
0xc3: {  	[tilespmem:$0x3800] =	vst v1;
	(pc) =	sbr.rel @p0 .LBB2_1-.Ltmp2, $4  }
0xc4: {  	[hbm4b:s10+s2] =	stream.linear.scatter [tilespmem:s23], [sflag:$0x3], $0x80, $0x38;
	[tilespmem:$0x3880] =	vst v63  }
0xc5: {  	_ =	swait.ge [sflag:s24], $0x80  }
0xc6: {  	[sflag:s24] =	ssyncset.done $0x0  }
0xc7: {  	[sflag:s24] =	ssyncadd.s32 $0xFFFFFF80  }
0xc8: {  	_ =	sfence.sel $0x180000  }
0xc9: {  	[bflag:$0x0] =	sbarrier.arrive $0xFFFF  }
0xca: {  	_ =	strace $0x90000047  }
0xcb: {  	[bflag:$0x2] =	sbarrier.arrive $0xFFFF  }
0xcc: {  	p0 =	sne.s32 s1, $0x0;
	s0 =	rddreg [dreg:$0x4]  }
0xcd: {  	s0 =	sadd.s32 @!p0 $0x100000, s0  }
0xce: {  	[sflag:s0] =	ssyncadd.tile.s32 @!p0 $0x1;
	_ =	shalt  }
.Lfunc_end2:
_tile_overlayer_lowered:
.L_overlay_start_2:
0xcf: {  	(tag) =	ssettag $0x2  }
0xd0: {  	s0 =	rddreg [dreg:$0x0];
	s2 =	stileid.u32  }
0xd1: {  	s1 =	rddreg [dreg:$0x1];
	p0 =	sne.s32 s2, $0x0  }
0xd2: {  	s3 =	rddreg [dreg:$0x2];
	[bflag:$0x3] =	sbarrier.arrive $0xFFFF;
	s2 =	simm.s32 @!p0 $0x1C03  }
0xd3: {  	[timem:s3], [sflag:s2] =	dma.local @!p0 [hbm:s0], s1  }
0xd4: {  	s0 =	simm.s32 @!p0 $0x3  }
0xd5: {  	_ =	swait.ge @!p0 [sflag:s0], s1  }
0xd6: {  	s1 =	ssub.s32 @!p0 $0x0, s1;
	[sflag:s0] =	ssyncset.done @!p0 $0x0  }
0xd7: {  	[sflag:s0] =	ssyncadd.s32 @!p0 s1  }
0xd8: {  	[bflag:$0x3] =	sbarrier.arrive $0xFFFF  }
0xd9: {  	_ =	shalt  }

</sc_bundles>
